<compile_context>
chip_gen: v7x
topology: tpu7x:2x2x1
jax: 0.10.2.dev20260603
libtpu: 0.0.44.dev20260713+nightly
codegen_flags: <defaults>
</compile_context>

<pallas_src>
import functools

import jax
import jax.numpy as jnp
from jax import lax
from jax.experimental import pallas as pl
from jax.experimental.pallas import tpu as pltpu
from jax.experimental.pallas import tpu_sc as plsc

_N = 128
_L = 20
_B = 64
_DK = 512
_DV = 512
_TOPK = 8

_NBLK = 32
_GRID = _N // _NBLK

_ROWS = _TOPK * _B * _L
_RLANE = 128
_NW = 32
_RPW = _ROWS // _NW
_CH = 80
_NCH = _RPW // _CH
_NBUF = 3


def _topk_body(q_hbm, keys_hbm, w_ref, rows_ref, q_v, s_ref,
               buf0, buf1, buf2, buf3, qsem, sem0, sem1, sem2, sem3):
    qcp = pltpu.make_async_copy(q_hbm, q_v, qsem)
    qcp.start()
    bufs = (buf0, buf1, buf2, buf3)
    sems = (sem0, sem1, sem2, sem3)

    def blk_copy(c):
        return pltpu.make_async_copy(
            keys_hbm.at[pl.ds(c * _NBLK, _NBLK)], bufs[c], sems[c])

    for c in range(_GRID):
        blk_copy(c).start()
    qcp.wait()
    q = q_v[...]
    for c in range(_GRID):
        blk_copy(c).wait()
        kb = bufs[c][...].reshape(_NBLK * _B, _DK)
        s_full = lax.dot_general(
            kb, q, (((1,), (1,)), ((), ())),
            precision=lax.Precision.DEFAULT,
            preferred_element_type=jnp.float32)
        s3 = s_full.reshape(_NBLK, _B, _B)
        diag = (lax.broadcasted_iota(jnp.int32, (_NBLK, _B, _B), 1) ==
                lax.broadcasted_iota(jnp.int32, (_NBLK, _B, _B), 2))
        s = jnp.sum(jnp.where(diag, s3, 0.0), axis=2)
        s_ref[pl.ds(c * _NBLK, _NBLK), :] = s / jnp.sqrt(jnp.float32(_DK))

    scores = s_ref[...]
    m = jnp.max(scores, axis=0, keepdims=True)
    e = jnp.exp(scores - m)
    att = e / jnp.sum(e, axis=0, keepdims=True)
    iota = lax.broadcasted_iota(jnp.int32, (_N, _B), 0)
    cur = att
    idxs = []
    vals = []
    for _ in range(_TOPK):
        mv = jnp.max(cur, axis=0, keepdims=True)
        mi = jnp.min(jnp.where(cur == mv, iota, _N), axis=0, keepdims=True)
        idxs.append(mi)
        vals.append(mv)
        cur = jnp.where(iota == mi, -1.0, cur)
    idx = jnp.concatenate(idxs, axis=0)
    w = jnp.concatenate(vals, axis=0)
    wm = jnp.max(w, axis=0, keepdims=True)
    we = jnp.exp(w - wm)
    w_ref[...] = we / jnp.sum(we, axis=0, keepdims=True)
    idx2 = jnp.concatenate([idx, idx], axis=1)
    idx3 = jnp.broadcast_to(idx2[:, None, :], (_TOPK, 10, 2 * _B))
    idxr = idx3.reshape(_ROWS // _RLANE, _RLANE)
    r_iota = lax.broadcasted_iota(jnp.int32, (_ROWS // _RLANE, _RLANE), 0)
    s_iota = lax.broadcasted_iota(jnp.int32, (_ROWS // _RLANE, _RLANE), 1)
    l_arr = (2 * r_iota + s_iota // _B) % _L
    b_arr = s_iota % _B
    rows_ref[...] = idxr * (_L * _B) + l_arr * _B + b_arr


def _topk_call(q, keys):
    return pl.pallas_call(
        _topk_body,
        in_specs=[
            pl.BlockSpec(memory_space=pltpu.MemorySpace.HBM),
            pl.BlockSpec(memory_space=pltpu.MemorySpace.HBM),
        ],
        out_specs=[
            pl.BlockSpec((_TOPK, _B), lambda: (0, 0)),
            pl.BlockSpec((_ROWS // _RLANE, _RLANE), lambda: (0, 0)),
        ],
        out_shape=[
            jax.ShapeDtypeStruct((_TOPK, _B), jnp.float32),
            jax.ShapeDtypeStruct((_ROWS // _RLANE, _RLANE), jnp.int32),
        ],
        scratch_shapes=[
            pltpu.VMEM((_B, _DK), jnp.float32),
            pltpu.VMEM((_N, _B), jnp.float32),
            pltpu.VMEM((_NBLK, _B, _DK), jnp.float32),
            pltpu.VMEM((_NBLK, _B, _DK), jnp.float32),
            pltpu.VMEM((_NBLK, _B, _DK), jnp.float32),
            pltpu.VMEM((_NBLK, _B, _DK), jnp.float32),
            pltpu.SemaphoreType.DMA,
            pltpu.SemaphoreType.DMA,
            pltpu.SemaphoreType.DMA,
            pltpu.SemaphoreType.DMA,
            pltpu.SemaphoreType.DMA,
        ],
    )(q, keys)


def _gather_body(rows_hbm, table_hbm, out_hbm, idx_v,
                 buf0, buf1, buf2, g0, g1, g2, s0, s1, s2):
    wid = lax.axis_index("s") * 2 + lax.axis_index("c")
    pltpu.sync_copy(rows_hbm.at[pl.ds(wid * _RPW, _RPW)], idx_v)
    bufs = (buf0, buf1, buf2)
    gsems = (g0, g1, g2)
    ssems = (s0, s1, s2)

    def gather(c):
        return pltpu.async_copy(
            table_hbm.at[idx_v.at[pl.ds(c * _CH, _CH)]],
            bufs[c % _NBUF], gsems[c % _NBUF])

    def scatter(c):
        return pltpu.async_copy(
            bufs[c % _NBUF],
            out_hbm.at[pl.ds(wid * _RPW + c * _CH, _CH)], ssems[c % _NBUF])

    handles = {}
    for c in range(min(_NBUF, _NCH)):
        handles[c] = gather(c)
    scat = {}
    for c in range(_NCH):
        handles[c].wait()
        scat[c] = scatter(c)
        nxt = c + _NBUF
        if nxt < _NCH:
            scat[c].wait()
            handles[nxt] = gather(nxt)
    for c in range(max(0, _NCH - _NBUF), _NCH):
        scat[c].wait()


def _gather_call(rows, table):
    mesh = plsc.VectorSubcoreMesh(core_axis_name="c", subcore_axis_name="s")
    f = functools.partial(
        pl.kernel,
        mesh=mesh,
        out_type=jax.ShapeDtypeStruct((_ROWS, _DV), jnp.float32),
        scratch_types=[
            pltpu.VMEM((_RPW,), jnp.int32),
            pltpu.VMEM((_CH, _DV), jnp.float32),
            pltpu.VMEM((_CH, _DV), jnp.float32),
            pltpu.VMEM((_CH, _DV), jnp.float32),
            pltpu.SemaphoreType.DMA,
            pltpu.SemaphoreType.DMA,
            pltpu.SemaphoreType.DMA,
            pltpu.SemaphoreType.DMA,
            pltpu.SemaphoreType.DMA,
            pltpu.SemaphoreType.DMA,
        ],
    )(_gather_body)
    return f(rows, table)


def kernel(query, keys, values):
    q = query.reshape(_B, _DK)
    w, rows = _topk_call(q, keys)
    rows = rows.reshape(_ROWS)
    table = values.reshape(_N * _L * _B, _DV)
    out = _gather_call(rows, table)
    topk_weights = jnp.transpose(w).reshape(_B, 1, _TOPK)
    outputs = jnp.swapaxes(out.reshape(_TOPK, _L, _B, _DV), 1, 2)
    return (topk_weights, outputs)

# --- scband reference (transcript-rebuilt; emitter-appended) ---
"""Pipeline reference for scband-cache-50371376448122 (READ-ONLY COPY).

The authoritative reference and input builder live on the scoring server;
editing this copy changes nothing except your own understanding.
"""

import jax, jax.numpy as jnp
import numpy as np

N = 128
L = 20
B = 64
DK = 512
DV = 512
TOPK = 8

def setup_inputs(seed: int = 0) -> dict:
    key = jax.random.key(seed)
    k1, k2, k3 = jax.random.split(key, 3)
    query = jax.random.normal(k1, (B, 1, DK), dtype=jnp.float32)
    # learned/stored cache parameters (keys: N slots of [B, dk]; values: N slots of [L, B, dv])
    keys = jax.random.normal(k2, (N, B, DK), dtype=jnp.float32)
    values = jax.random.normal(k3, (N, L, B, DV), dtype=jnp.float32)
    return {"query": query, "keys": keys, "values": values}

def reference(query, keys, values):
    dk = query.shape[-1]
    # keys: [N, B, dk] -> transpose(0,1) -> [B, N, dk]
    k = jnp.transpose(keys, (1, 0, 2))
    # values: [N, L, B, dv] -> transpose(0,2) -> [B, L, N, dv] -> transpose(1,2) -> [B, N, L, dv]
    v = jnp.transpose(values, (2, 0, 1, 3))
    # DotProductAttention: scaled dot-product scores + softmax over cache slots
    scores = jnp.matmul(query, jnp.swapaxes(k, -1, -2)) / jnp.sqrt(jnp.asarray(dk, dtype=jnp.float32))
    attention = jax.nn.softmax(scores, axis=-1)  # [B, 1, N]
    topk_weights, topk_indices = jax.lax.top_k(attention, TOPK)  # [B, 1, TOPK]
    # topk_indices.transpose(0,2).view(TOPK, -1)
    topk_idx = jnp.transpose(topk_indices, (2, 1, 0)).reshape(TOPK, -1)  # [TOPK, B]
    batch = jnp.tile(jnp.arange(B)[None, :], (TOPK, 1))  # [TOPK, B]
    topk_weights = jax.nn.softmax(topk_weights, axis=2)  # [B, 1, TOPK]
    outputs = v[batch, topk_idx]  # [TOPK, B, L, dv]
    return (topk_weights, outputs)

if __name__ == "__main__":
    import jax
    _d = setup_inputs()
    print(jax.jit(kernel)(*tuple(_d.values())))

</pallas_src>

<mosaic_0001>
#map = affine_map<(d0, d1) -> (0)>
#map1 = affine_map<(d0, d1) -> (0, 0)>
module attributes {stable_mosaic.version = 14 : i64} {
  func.func @_gather_body(%arg0: i32, %arg1: i32, %arg2: memref<10240xi32, #tpu.memory_space<hbm>>, %arg3: memref<163840x512xf32, #tpu.memory_space<hbm>>, %arg4: memref<10240x512xf32, #tpu.memory_space<hbm>>, %arg5: memref<320xi32, #tpu.memory_space<vmem>>, %arg6: memref<80x512xf32, #tpu.memory_space<vmem>>, %arg7: memref<80x512xf32, #tpu.memory_space<vmem>>, %arg8: memref<80x512xf32, #tpu.memory_space<vmem>>, %arg9: memref<!tpu.dma_semaphore, #tpu.memory_space<semaphore_mem>>, %arg10: memref<!tpu.dma_semaphore, #tpu.memory_space<semaphore_mem>>, %arg11: memref<!tpu.dma_semaphore, #tpu.memory_space<semaphore_mem>>, %arg12: memref<!tpu.dma_semaphore, #tpu.memory_space<semaphore_mem>>, %arg13: memref<!tpu.dma_semaphore, #tpu.memory_space<semaphore_mem>>, %arg14: memref<!tpu.dma_semaphore, #tpu.memory_space<semaphore_mem>>) attributes {dimension_semantics = [#tpu.dimension_semantics<core_parallel>, #tpu.dimension_semantics<subcore_parallel>], iteration_bounds = array<i64: 2, 16>, scalar_prefetch = 0 : i64, scratch_operands = 10 : i64, tpu.core_type = #tpu.core_type<sc_vector_subcore>, window_params = [{transform_indices = #map}, {transform_indices = #map1}, {transform_indices = #map1}]} {
    %mul3A = arith.constant 2 : i32
    %mul3A_0 = arith.muli %arg1, %mul3A : i32
    %add3A = arith.addi %mul3A_0, %arg0 : i32
    %mul3A_1 = arith.constant 320 : i32
    %mul3A_2 = arith.muli %add3A, %mul3A_1 : i32
    "tpu.region"() ({
      %run_scoped3A = tpu.sem_alloc : memref<!tpu.dma_semaphore, #tpu.memory_space<semaphore_mem>>
      %dma_start3A_89 = tpu.memref_slice %arg2[%mul3A_2] : memref<10240xi32, #tpu.memory_space<hbm>> -> memref<320xi32, #tpu.memory_space<hbm>>
      %dma_start3A_90 = tpu.memref_slice %arg2[%mul3A_2] : memref<10240xi32, #tpu.memory_space<hbm>> -> memref<320xi32, #tpu.memory_space<hbm>>
      tpu.enqueue_dma source(%dma_start3A_90 : memref<320xi32, #tpu.memory_space<hbm>>) target(%arg5 : memref<320xi32, #tpu.memory_space<vmem>>) target_semaphore(%run_scoped3A : memref<!tpu.dma_semaphore, #tpu.memory_space<semaphore_mem>>)
      %dma_wait3A_91 = tpu.memref_slice %arg2[%mul3A_2] : memref<10240xi32, #tpu.memory_space<hbm>> -> memref<320xi32, #tpu.memory_space<hbm>>
      %dma_wait3A_92 = tpu.memref_slice %arg2[%mul3A_2] : memref<10240xi32, #tpu.memory_space<hbm>> -> memref<320xi32, #tpu.memory_space<hbm>>
      tpu.wait_dma2 semaphore(%run_scoped3A : memref<!tpu.dma_semaphore, #tpu.memory_space<semaphore_mem>>) src(%dma_wait3A_92 : memref<320xi32, #tpu.memory_space<hbm>>) dst(%arg5 : memref<320xi32, #tpu.memory_space<vmem>>)
      tpu.yield
    }) : () -> ()
    %dma_start3A = arith.constant 0 : i32
    %dma_start3A_3 = tpu.memref_slice %arg5[%dma_start3A] : memref<320xi32, #tpu.memory_space<vmem>> -> memref<80xi32, #tpu.memory_space<vmem>>
    %dma_start3A_4 = arith.constant 0 : i32
    %dma_start3A_5 = arith.constant 0 : i32
    %dma_start3A_6 = tpu.memref_slice %arg3[%dma_start3A_4, %dma_start3A_5] : memref<163840x512xf32, #tpu.memory_space<hbm>> -> memref<163840x512xf32, #tpu.memory_space<hbm>>
    tpu.enqueue_indirect_dma source(%dma_start3A_6 : memref<163840x512xf32, #tpu.memory_space<hbm>>) target(%arg6 : memref<80x512xf32, #tpu.memory_space<vmem>>) offsets(%dma_start3A_3 : memref<80xi32, #tpu.memory_space<vmem>>) semaphore(%arg9 : memref<!tpu.dma_semaphore, #tpu.memory_space<semaphore_mem>>)
    %dma_start3A_7 = arith.constant 80 : i32
    %dma_start3A_8 = tpu.memref_slice %arg5[%dma_start3A_7] : memref<320xi32, #tpu.memory_space<vmem>> -> memref<80xi32, #tpu.memory_space<vmem>>
    %dma_start3A_9 = arith.constant 0 : i32
    %dma_start3A_10 = arith.constant 0 : i32
    %dma_start3A_11 = tpu.memref_slice %arg3[%dma_start3A_9, %dma_start3A_10] : memref<163840x512xf32, #tpu.memory_space<hbm>> -> memref<163840x512xf32, #tpu.memory_space<hbm>>
    tpu.enqueue_indirect_dma source(%dma_start3A_11 : memref<163840x512xf32, #tpu.memory_space<hbm>>) target(%arg7 : memref<80x512xf32, #tpu.memory_space<vmem>>) offsets(%dma_start3A_8 : memref<80xi32, #tpu.memory_space<vmem>>) semaphore(%arg10 : memref<!tpu.dma_semaphore, #tpu.memory_space<semaphore_mem>>)
    %dma_start3A_12 = arith.constant 160 : i32
    %dma_start3A_13 = tpu.memref_slice %arg5[%dma_start3A_12] : memref<320xi32, #tpu.memory_space<vmem>> -> memref<80xi32, #tpu.memory_space<vmem>>
    %dma_start3A_14 = arith.constant 0 : i32
    %dma_start3A_15 = arith.constant 0 : i32
    %dma_start3A_16 = tpu.memref_slice %arg3[%dma_start3A_14, %dma_start3A_15] : memref<163840x512xf32, #tpu.memory_space<hbm>> -> memref<163840x512xf32, #tpu.memory_space<hbm>>
    tpu.enqueue_indirect_dma source(%dma_start3A_16 : memref<163840x512xf32, #tpu.memory_space<hbm>>) target(%arg8 : memref<80x512xf32, #tpu.memory_space<vmem>>) offsets(%dma_start3A_13 : memref<80xi32, #tpu.memory_space<vmem>>) semaphore(%arg11 : memref<!tpu.dma_semaphore, #tpu.memory_space<semaphore_mem>>)
    %dma_wait3A = arith.constant 0 : i32
    %dma_wait3A_17 = tpu.memref_slice %arg5[%dma_wait3A] : memref<320xi32, #tpu.memory_space<vmem>> -> memref<80xi32, #tpu.memory_space<vmem>>
    %dma_wait3A_18 = arith.constant 0 : i32
    %dma_wait3A_19 = arith.constant 0 : i32
    %dma_wait3A_20 = tpu.memref_slice %arg3[%dma_wait3A_18, %dma_wait3A_19] : memref<163840x512xf32, #tpu.memory_space<hbm>> -> memref<163840x512xf32, #tpu.memory_space<hbm>>
    tpu.wait_indirect_dma semaphore(%arg9 : memref<!tpu.dma_semaphore, #tpu.memory_space<semaphore_mem>>) src(%dma_wait3A_20 : memref<163840x512xf32, #tpu.memory_space<hbm>>) dst(%arg6 : memref<80x512xf32, #tpu.memory_space<vmem>>)
    %mul3A_21 = arith.constant 320 : i32
    %mul3A_22 = arith.muli %add3A, %mul3A_21 : i32
    %add3A_23 = arith.constant 0 : i32
    %add3A_24 = arith.addi %mul3A_22, %add3A_23 : i32
    %dma_start3A_25 = arith.constant 0 : i32
    %dma_start3A_26 = tpu.memref_slice %arg4[%add3A_24, %dma_start3A_25] : memref<10240x512xf32, #tpu.memory_space<hbm>> -> memref<80x512xf32, #tpu.memory_space<hbm>>
    %dma_start3A_27 = arith.constant 0 : i32
    %dma_start3A_28 = tpu.memref_slice %arg4[%add3A_24, %dma_start3A_27] : memref<10240x512xf32, #tpu.memory_space<hbm>> -> memref<80x512xf32, #tpu.memory_space<hbm>>
    tpu.enqueue_dma source(%arg6 : memref<80x512xf32, #tpu.memory_space<vmem>>) target(%dma_start3A_28 : memref<80x512xf32, #tpu.memory_space<hbm>>) target_semaphore(%arg12 : memref<!tpu.dma_semaphore, #tpu.memory_space<semaphore_mem>>)
    %dma_wait3A_29 = arith.constant 0 : i32
    %dma_wait3A_30 = tpu.memref_slice %arg4[%add3A_24, %dma_wait3A_29] : memref<10240x512xf32, #tpu.memory_space<hbm>> -> memref<80x512xf32, #tpu.memory_space<hbm>>
    %dma_wait3A_31 = arith.constant 0 : i32
    %dma_wait3A_32 = tpu.memref_slice %arg4[%add3A_24, %dma_wait3A_31] : memref<10240x512xf32, #tpu.memory_space<hbm>> -> memref<80x512xf32, #tpu.memory_space<hbm>>
    tpu.wait_dma2 semaphore(%arg12 : memref<!tpu.dma_semaphore, #tpu.memory_space<semaphore_mem>>) src(%arg6 : memref<80x512xf32, #tpu.memory_space<vmem>>) dst(%dma_wait3A_32 : memref<80x512xf32, #tpu.memory_space<hbm>>)
    %dma_start3A_33 = arith.constant 240 : i32
    %dma_start3A_34 = tpu.memref_slice %arg5[%dma_start3A_33] : memref<320xi32, #tpu.memory_space<vmem>> -> memref<80xi32, #tpu.memory_space<vmem>>
    %dma_start3A_35 = arith.constant 0 : i32
    %dma_start3A_36 = arith.constant 0 : i32
    %dma_start3A_37 = tpu.memref_slice %arg3[%dma_start3A_35, %dma_start3A_36] : memref<163840x512xf32, #tpu.memory_space<hbm>> -> memref<163840x512xf32, #tpu.memory_space<hbm>>
    tpu.enqueue_indirect_dma source(%dma_start3A_37 : memref<163840x512xf32, #tpu.memory_space<hbm>>) target(%arg6 : memref<80x512xf32, #tpu.memory_space<vmem>>) offsets(%dma_start3A_34 : memref<80xi32, #tpu.memory_space<vmem>>) semaphore(%arg9 : memref<!tpu.dma_semaphore, #tpu.memory_space<semaphore_mem>>)
    %dma_wait3A_38 = arith.constant 80 : i32
    %dma_wait3A_39 = tpu.memref_slice %arg5[%dma_wait3A_38] : memref<320xi32, #tpu.memory_space<vmem>> -> memref<80xi32, #tpu.memory_space<vmem>>
    %dma_wait3A_40 = arith.constant 0 : i32
    %dma_wait3A_41 = arith.constant 0 : i32
    %dma_wait3A_42 = tpu.memref_slice %arg3[%dma_wait3A_40, %dma_wait3A_41] : memref<163840x512xf32, #tpu.memory_space<hbm>> -> memref<163840x512xf32, #tpu.memory_space<hbm>>
    tpu.wait_indirect_dma semaphore(%arg10 : memref<!tpu.dma_semaphore, #tpu.memory_space<semaphore_mem>>) src(%dma_wait3A_42 : memref<163840x512xf32, #tpu.memory_space<hbm>>) dst(%arg7 : memref<80x512xf32, #tpu.memory_space<vmem>>)
    %mul3A_43 = arith.constant 320 : i32
    %mul3A_44 = arith.muli %add3A, %mul3A_43 : i32
    %add3A_45 = arith.constant 80 : i32
    %add3A_46 = arith.addi %mul3A_44, %add3A_45 : i32
    %dma_start3A_47 = arith.constant 0 : i32
    %dma_start3A_48 = tpu.memref_slice %arg4[%add3A_46, %dma_start3A_47] : memref<10240x512xf32, #tpu.memory_space<hbm>> -> memref<80x512xf32, #tpu.memory_space<hbm>>
    %dma_start3A_49 = arith.constant 0 : i32
    %dma_start3A_50 = tpu.memref_slice %arg4[%add3A_46, %dma_start3A_49] : memref<10240x512xf32, #tpu.memory_space<hbm>> -> memref<80x512xf32, #tpu.memory_space<hbm>>
    tpu.enqueue_dma source(%arg7 : memref<80x512xf32, #tpu.memory_space<vmem>>) target(%dma_start3A_50 : memref<80x512xf32, #tpu.memory_space<hbm>>) target_semaphore(%arg13 : memref<!tpu.dma_semaphore, #tpu.memory_space<semaphore_mem>>)
    %dma_wait3A_51 = arith.constant 160 : i32
    %dma_wait3A_52 = tpu.memref_slice %arg5[%dma_wait3A_51] : memref<320xi32, #tpu.memory_space<vmem>> -> memref<80xi32, #tpu.memory_space<vmem>>
    %dma_wait3A_53 = arith.constant 0 : i32
    %dma_wait3A_54 = arith.constant 0 : i32
    %dma_wait3A_55 = tpu.memref_slice %arg3[%dma_wait3A_53, %dma_wait3A_54] : memref<163840x512xf32, #tpu.memory_space<hbm>> -> memref<163840x512xf32, #tpu.memory_space<hbm>>
    tpu.wait_indirect_dma semaphore(%arg11 : memref<!tpu.dma_semaphore, #tpu.memory_space<semaphore_mem>>) src(%dma_wait3A_55 : memref<163840x512xf32, #tpu.memory_space<hbm>>) dst(%arg8 : memref<80x512xf32, #tpu.memory_space<vmem>>)
    %mul3A_56 = arith.constant 320 : i32
    %mul3A_57 = arith.muli %add3A, %mul3A_56 : i32
    %add3A_58 = arith.constant 160 : i32
    %add3A_59 = arith.addi %mul3A_57, %add3A_58 : i32
    %dma_start3A_60 = arith.constant 0 : i32
    %dma_start3A_61 = tpu.memref_slice %arg4[%add3A_59, %dma_start3A_60] : memref<10240x512xf32, #tpu.memory_space<hbm>> -> memref<80x512xf32, #tpu.memory_space<hbm>>
    %dma_start3A_62 = arith.constant 0 : i32
    %dma_start3A_63 = tpu.memref_slice %arg4[%add3A_59, %dma_start3A_62] : memref<10240x512xf32, #tpu.memory_space<hbm>> -> memref<80x512xf32, #tpu.memory_space<hbm>>
    tpu.enqueue_dma source(%arg8 : memref<80x512xf32, #tpu.memory_space<vmem>>) target(%dma_start3A_63 : memref<80x512xf32, #tpu.memory_space<hbm>>) target_semaphore(%arg14 : memref<!tpu.dma_semaphore, #tpu.memory_space<semaphore_mem>>)
    %dma_wait3A_64 = arith.constant 240 : i32
    %dma_wait3A_65 = tpu.memref_slice %arg5[%dma_wait3A_64] : memref<320xi32, #tpu.memory_space<vmem>> -> memref<80xi32, #tpu.memory_space<vmem>>
    %dma_wait3A_66 = arith.constant 0 : i32
    %dma_wait3A_67 = arith.constant 0 : i32
    %dma_wait3A_68 = tpu.memref_slice %arg3[%dma_wait3A_66, %dma_wait3A_67] : memref<163840x512xf32, #tpu.memory_space<hbm>> -> memref<163840x512xf32, #tpu.memory_space<hbm>>
    tpu.wait_indirect_dma semaphore(%arg9 : memref<!tpu.dma_semaphore, #tpu.memory_space<semaphore_mem>>) src(%dma_wait3A_68 : memref<163840x512xf32, #tpu.memory_space<hbm>>) dst(%arg6 : memref<80x512xf32, #tpu.memory_space<vmem>>)
    %mul3A_69 = arith.constant 320 : i32
    %mul3A_70 = arith.muli %add3A, %mul3A_69 : i32
    %add3A_71 = arith.constant 240 : i32
    %add3A_72 = arith.addi %mul3A_70, %add3A_71 : i32
    %dma_start3A_73 = arith.constant 0 : i32
    %dma_start3A_74 = tpu.memref_slice %arg4[%add3A_72, %dma_start3A_73] : memref<10240x512xf32, #tpu.memory_space<hbm>> -> memref<80x512xf32, #tpu.memory_space<hbm>>
    %dma_start3A_75 = arith.constant 0 : i32
    %dma_start3A_76 = tpu.memref_slice %arg4[%add3A_72, %dma_start3A_75] : memref<10240x512xf32, #tpu.memory_space<hbm>> -> memref<80x512xf32, #tpu.memory_space<hbm>>
    tpu.enqueue_dma source(%arg6 : memref<80x512xf32, #tpu.memory_space<vmem>>) target(%dma_start3A_76 : memref<80x512xf32, #tpu.memory_space<hbm>>) target_semaphore(%arg12 : memref<!tpu.dma_semaphore, #tpu.memory_space<semaphore_mem>>)
    %dma_wait3A_77 = arith.constant 0 : i32
    %dma_wait3A_78 = tpu.memref_slice %arg4[%add3A_46, %dma_wait3A_77] : memref<10240x512xf32, #tpu.memory_space<hbm>> -> memref<80x512xf32, #tpu.memory_space<hbm>>
    %dma_wait3A_79 = arith.constant 0 : i32
    %dma_wait3A_80 = tpu.memref_slice %arg4[%add3A_46, %dma_wait3A_79] : memref<10240x512xf32, #tpu.memory_space<hbm>> -> memref<80x512xf32, #tpu.memory_space<hbm>>
    tpu.wait_dma2 semaphore(%arg13 : memref<!tpu.dma_semaphore, #tpu.memory_space<semaphore_mem>>) src(%arg7 : memref<80x512xf32, #tpu.memory_space<vmem>>) dst(%dma_wait3A_80 : memref<80x512xf32, #tpu.memory_space<hbm>>)
    %dma_wait3A_81 = arith.constant 0 : i32
    %dma_wait3A_82 = tpu.memref_slice %arg4[%add3A_59, %dma_wait3A_81] : memref<10240x512xf32, #tpu.memory_space<hbm>> -> memref<80x512xf32, #tpu.memory_space<hbm>>
    %dma_wait3A_83 = arith.constant 0 : i32
    %dma_wait3A_84 = tpu.memref_slice %arg4[%add3A_59, %dma_wait3A_83] : memref<10240x512xf32, #tpu.memory_space<hbm>> -> memref<80x512xf32, #tpu.memory_space<hbm>>
    tpu.wait_dma2 semaphore(%arg14 : memref<!tpu.dma_semaphore, #tpu.memory_space<semaphore_mem>>) src(%arg8 : memref<80x512xf32, #tpu.memory_space<vmem>>) dst(%dma_wait3A_84 : memref<80x512xf32, #tpu.memory_space<hbm>>)
    %dma_wait3A_85 = arith.constant 0 : i32
    %dma_wait3A_86 = tpu.memref_slice %arg4[%add3A_72, %dma_wait3A_85] : memref<10240x512xf32, #tpu.memory_space<hbm>> -> memref<80x512xf32, #tpu.memory_space<hbm>>
    %dma_wait3A_87 = arith.constant 0 : i32
    %dma_wait3A_88 = tpu.memref_slice %arg4[%add3A_72, %dma_wait3A_87] : memref<10240x512xf32, #tpu.memory_space<hbm>> -> memref<80x512xf32, #tpu.memory_space<hbm>>
    tpu.wait_dma2 semaphore(%arg12 : memref<!tpu.dma_semaphore, #tpu.memory_space<semaphore_mem>>) src(%arg6 : memref<80x512xf32, #tpu.memory_space<vmem>>) dst(%dma_wait3A_88 : memref<80x512xf32, #tpu.memory_space<hbm>>)
    return
  }
}

module attributes {stable_mosaic.version = 14 : i64} {
  func.func @_topk_body(%arg0: memref<64x512xf32, #tpu.memory_space<hbm>>, %arg1: memref<128x64x512xf32, #tpu.memory_space<hbm>>, %arg2: memref<8x64xf32, #tpu.memory_space<vmem>>, %arg3: memref<80x128xi32, #tpu.memory_space<vmem>>, %arg4: memref<64x512xf32, #tpu.memory_space<vmem>>, %arg5: memref<128x64xf32, #tpu.memory_space<vmem>>, %arg6: memref<32x64x512xf32, #tpu.memory_space<vmem>>, %arg7: memref<32x64x512xf32, #tpu.memory_space<vmem>>, %arg8: memref<32x64x512xf32, #tpu.memory_space<vmem>>, %arg9: memref<32x64x512xf32, #tpu.memory_space<vmem>>, %arg10: memref<!tpu.dma_semaphore, #tpu.memory_space<semaphore_mem>>, %arg11: memref<!tpu.dma_semaphore, #tpu.memory_space<semaphore_mem>>, %arg12: memref<!tpu.dma_semaphore, #tpu.memory_space<semaphore_mem>>, %arg13: memref<!tpu.dma_semaphore, #tpu.memory_space<semaphore_mem>>, %arg14: memref<!tpu.dma_semaphore, #tpu.memory_space<semaphore_mem>>) attributes {dimension_semantics = [], scalar_prefetch = 0 : i64, scratch_operands = 11 : i64, tpu.core_type = #tpu.core_type<tc>} {
    tpu.enqueue_dma source(%arg0 : memref<64x512xf32, #tpu.memory_space<hbm>>) target(%arg4 : memref<64x512xf32, #tpu.memory_space<vmem>>) target_semaphore(%arg10 : memref<!tpu.dma_semaphore, #tpu.memory_space<semaphore_mem>>)
    %dma_start3A = arith.constant 0 : i32
    %dma_start3A_0 = arith.constant 0 : i32
    %dma_start3A_1 = arith.constant 0 : i32
    %dma_start3A_2 = tpu.memref_slice %arg1[%dma_start3A, %dma_start3A_0, %dma_start3A_1] : memref<128x64x512xf32, #tpu.memory_space<hbm>> -> memref<32x64x512xf32, #tpu.memory_space<hbm>>
    tpu.enqueue_dma source(%dma_start3A_2 : memref<32x64x512xf32, #tpu.memory_space<hbm>>) target(%arg6 : memref<32x64x512xf32, #tpu.memory_space<vmem>>) target_semaphore(%arg11 : memref<!tpu.dma_semaphore, #tpu.memory_space<semaphore_mem>>)
    %dma_start3A_3 = arith.constant 32 : i32
    %dma_start3A_4 = arith.constant 0 : i32
    %dma_start3A_5 = arith.constant 0 : i32
    %dma_start3A_6 = tpu.memref_slice %arg1[%dma_start3A_3, %dma_start3A_4, %dma_start3A_5] : memref<128x64x512xf32, #tpu.memory_space<hbm>> -> memref<32x64x512xf32, #tpu.memory_space<hbm>>
    tpu.enqueue_dma source(%dma_start3A_6 : memref<32x64x512xf32, #tpu.memory_space<hbm>>) target(%arg7 : memref<32x64x512xf32, #tpu.memory_space<vmem>>) target_semaphore(%arg12 : memref<!tpu.dma_semaphore, #tpu.memory_space<semaphore_mem>>)
    %dma_start3A_7 = arith.constant 64 : i32
    %dma_start3A_8 = arith.constant 0 : i32
    %dma_start3A_9 = arith.constant 0 : i32
    %dma_start3A_10 = tpu.memref_slice %arg1[%dma_start3A_7, %dma_start3A_8, %dma_start3A_9] : memref<128x64x512xf32, #tpu.memory_space<hbm>> -> memref<32x64x512xf32, #tpu.memory_space<hbm>>
    tpu.enqueue_dma source(%dma_start3A_10 : memref<32x64x512xf32, #tpu.memory_space<hbm>>) target(%arg8 : memref<32x64x512xf32, #tpu.memory_space<vmem>>) target_semaphore(%arg13 : memref<!tpu.dma_semaphore, #tpu.memory_space<semaphore_mem>>)
    %dma_start3A_11 = arith.constant 96 : i32
    %dma_start3A_12 = arith.constant 0 : i32
    %dma_start3A_13 = arith.constant 0 : i32
    %dma_start3A_14 = tpu.memref_slice %arg1[%dma_start3A_11, %dma_start3A_12, %dma_start3A_13] : memref<128x64x512xf32, #tpu.memory_space<hbm>> -> memref<32x64x512xf32, #tpu.memory_space<hbm>>
    tpu.enqueue_dma source(%dma_start3A_14 : memref<32x64x512xf32, #tpu.memory_space<hbm>>) target(%arg9 : memref<32x64x512xf32, #tpu.memory_space<vmem>>) target_semaphore(%arg14 : memref<!tpu.dma_semaphore, #tpu.memory_space<semaphore_mem>>)
    tpu.wait_dma2 semaphore(%arg10 : memref<!tpu.dma_semaphore, #tpu.memory_space<semaphore_mem>>) src(%arg0 : memref<64x512xf32, #tpu.memory_space<hbm>>) dst(%arg4 : memref<64x512xf32, #tpu.memory_space<vmem>>)
    %get3A = arith.constant 0 : index
    %get3A_15 = arith.constant 0 : index
    %get3A_16 = vector.load %arg4[%get3A, %get3A_15] : memref<64x512xf32, #tpu.memory_space<vmem>>, vector<64x512xf32>
    %dma_wait3A = arith.constant 0 : i32
    %dma_wait3A_17 = arith.constant 0 : i32
    %dma_wait3A_18 = arith.constant 0 : i32
    %dma_wait3A_19 = tpu.memref_slice %arg1[%dma_wait3A, %dma_wait3A_17, %dma_wait3A_18] : memref<128x64x512xf32, #tpu.memory_space<hbm>> -> memref<32x64x512xf32, #tpu.memory_space<hbm>>
    tpu.wait_dma2 semaphore(%arg11 : memref<!tpu.dma_semaphore, #tpu.memory_space<semaphore_mem>>) src(%dma_wait3A_19 : memref<32x64x512xf32, #tpu.memory_space<hbm>>) dst(%arg6 : memref<32x64x512xf32, #tpu.memory_space<vmem>>)
    %get3A_20 = arith.constant 0 : index
    %get3A_21 = arith.constant 0 : index
    %get3A_22 = arith.constant 0 : index
    %get3A_23 = vector.load %arg6[%get3A_20, %get3A_21, %get3A_22] : memref<32x64x512xf32, #tpu.memory_space<vmem>>, vector<32x64x512xf32>
    %reshape3A = vector.shape_cast %get3A_23 : vector<32x64x512xf32> to vector<2048x512xf32>
    %dot_general3A = arith.constant dense<0.000000e+00> : vector<2048x64xf32>
    %dot_general3A_24 = tpu.matmul %reshape3A, %get3A_16, %dot_general3A {dimension_numbers = #tpu.dot_dimension_numbers<[1], [1], [0], [0], [0, 0, 1, 0], [], []>, transpose_lhs_hint = false} : vector<2048x512xf32>, vector<64x512xf32>, vector<2048x64xf32> -> vector<2048x64xf32>
    %reshape3A_25 = vector.shape_cast %dot_general3A_24 : vector<2048x64xf32> to vector<32x64x64xf32>
    %iota3A = tpu.iota {dimensions = array<i32: 1>} : vector<32x64x64xi32>
    %iota3A_26 = tpu.iota {dimensions = array<i32: 2>} : vector<32x64x64xi32>
    %eq3A = arith.cmpi eq, %iota3A, %iota3A_26 : vector<32x64x64xi32>
    %jit3A = arith.constant 0.000000e+00 : f32
    %broadcast_in_dim3A = vector.broadcast %jit3A : f32 to vector<32x64x64xf32>
    %select_n3A = arith.select %eq3A, %reshape3A_25, %broadcast_in_dim3A : vector<32x64x64xi1>, vector<32x64x64xf32>
    %reduce_sum3A = arith.constant dense<0.000000e+00> : vector<32x64xf32>
    %reduce_sum3A_27 = vector.multi_reduction <add>, %select_n3A, %reduce_sum3A [2] : vector<32x64x64xf32> to vector<32x64xf32>
    %sqrt3A = arith.constant 5.120000e+02 : f32
    %sqrt3A_28 = math.sqrt %sqrt3A : f32
    %div3A = vector.broadcast %sqrt3A_28 : f32 to vector<32x64xf32>
    %div3A_29 = arith.divf %reduce_sum3A_27, %div3A : vector<32x64xf32>
    %swap3A = arith.constant 0 : index
    %swap3A_30 = arith.constant 0 : index
    %swap3A_31 = vector.load %arg5[%swap3A, %swap3A_30] : memref<128x64xf32, #tpu.memory_space<vmem>>, vector<32x64xf32>
    tpu.vector_store %arg5[%swap3A, %swap3A_30], %div3A_29 {strides = array<i32>} : memref<128x64xf32, #tpu.memory_space<vmem>>, vector<32x64xf32>,
    %dma_wait3A_32 = arith.constant 32 : i32
    %dma_wait3A_33 = arith.constant 0 : i32
    %dma_wait3A_34 = arith.constant 0 : i32
    %dma_wait3A_35 = tpu.memref_slice %arg1[%dma_wait3A_32, %dma_wait3A_33, %dma_wait3A_34] : memref<128x64x512xf32, #tpu.memory_space<hbm>> -> memref<32x64x512xf32, #tpu.memory_space<hbm>>
    tpu.wait_dma2 semaphore(%arg12 : memref<!tpu.dma_semaphore, #tpu.memory_space<semaphore_mem>>) src(%dma_wait3A_35 : memref<32x64x512xf32, #tpu.memory_space<hbm>>) dst(%arg7 : memref<32x64x512xf32, #tpu.memory_space<vmem>>)
    %get3A_36 = arith.constant 0 : index
    %get3A_37 = arith.constant 0 : index
    %get3A_38 = arith.constant 0 : index
    %get3A_39 = vector.load %arg7[%get3A_36, %get3A_37, %get3A_38] : memref<32x64x512xf32, #tpu.memory_space<vmem>>, vector<32x64x512xf32>
    %reshape3A_40 = vector.shape_cast %get3A_39 : vector<32x64x512xf32> to vector<2048x512xf32>
    %dot_general3A_41 = arith.constant dense<0.000000e+00> : vector<2048x64xf32>
    %dot_general3A_42 = tpu.matmul %reshape3A_40, %get3A_16, %dot_general3A_41 {dimension_numbers = #tpu.dot_dimension_numbers<[1], [1], [0], [0], [0, 0, 1, 0], [], []>, transpose_lhs_hint = false} : vector<2048x512xf32>, vector<64x512xf32>, vector<2048x64xf32> -> vector<2048x64xf32>
    %reshape3A_43 = vector.shape_cast %dot_general3A_42 : vector<2048x64xf32> to vector<32x64x64xf32>
    %iota3A_44 = tpu.iota {dimensions = array<i32: 1>} : vector<32x64x64xi32>
    %iota3A_45 = tpu.iota {dimensions = array<i32: 2>} : vector<32x64x64xi32>
    %eq3A_46 = arith.cmpi eq, %iota3A_44, %iota3A_45 : vector<32x64x64xi32>
    %jit3A_47 = arith.constant 0.000000e+00 : f32
    %broadcast_in_dim3A_48 = vector.broadcast %jit3A_47 : f32 to vector<32x64x64xf32>
    %select_n3A_49 = arith.select %eq3A_46, %reshape3A_43, %broadcast_in_dim3A_48 : vector<32x64x64xi1>, vector<32x64x64xf32>
    %reduce_sum3A_50 = arith.constant dense<0.000000e+00> : vector<32x64xf32>
    %reduce_sum3A_51 = vector.multi_reduction <add>, %select_n3A_49, %reduce_sum3A_50 [2] : vector<32x64x64xf32> to vector<32x64xf32>
    %sqrt3A_52 = arith.constant 5.120000e+02 : f32
    %sqrt3A_53 = math.sqrt %sqrt3A_52 : f32
    %div3A_54 = vector.broadcast %sqrt3A_53 : f32 to vector<32x64xf32>
    %div3A_55 = arith.divf %reduce_sum3A_51, %div3A_54 : vector<32x64xf32>
    %swap3A_56 = arith.constant 32 : index
    %swap3A_57 = arith.constant 0 : index
    %swap3A_58 = vector.load %arg5[%swap3A_56, %swap3A_57] : memref<128x64xf32, #tpu.memory_space<vmem>>, vector<32x64xf32>
    tpu.vector_store %arg5[%swap3A_56, %swap3A_57], %div3A_55 {strides = array<i32>} : memref<128x64xf32, #tpu.memory_space<vmem>>, vector<32x64xf32>,
    %dma_wait3A_59 = arith.constant 64 : i32
    %dma_wait3A_60 = arith.constant 0 : i32
    %dma_wait3A_61 = arith.constant 0 : i32
    %dma_wait3A_62 = tpu.memref_slice %arg1[%dma_wait3A_59, %dma_wait3A_60, %dma_wait3A_61] : memref<128x64x512xf32, #tpu.memory_space<hbm>> -> memref<32x64x512xf32, #tpu.memory_space<hbm>>
    tpu.wait_dma2 semaphore(%arg13 : memref<!tpu.dma_semaphore, #tpu.memory_space<semaphore_mem>>) src(%dma_wait3A_62 : memref<32x64x512xf32, #tpu.memory_space<hbm>>) dst(%arg8 : memref<32x64x512xf32, #tpu.memory_space<vmem>>)
    %get3A_63 = arith.constant 0 : index
    %get3A_64 = arith.constant 0 : index
    %get3A_65 = arith.constant 0 : index
    %get3A_66 = vector.load %arg8[%get3A_63, %get3A_64, %get3A_65] : memref<32x64x512xf32, #tpu.memory_space<vmem>>, vector<32x64x512xf32>
    %reshape3A_67 = vector.shape_cast %get3A_66 : vector<32x64x512xf32> to vector<2048x512xf32>
    %dot_general3A_68 = arith.constant dense<0.000000e+00> : vector<2048x64xf32>
    %dot_general3A_69 = tpu.matmul %reshape3A_67, %get3A_16, %dot_general3A_68 {dimension_numbers = #tpu.dot_dimension_numbers<[1], [1], [0], [0], [0, 0, 1, 0], [], []>, transpose_lhs_hint = false} : vector<2048x512xf32>, vector<64x512xf32>, vector<2048x64xf32> -> vector<2048x64xf32>
    %reshape3A_70 = vector.shape_cast %dot_general3A_69 : vector<2048x64xf32> to vector<32x64x64xf32>
    %iota3A_71 = tpu.iota {dimensions = array<i32: 1>} : vector<32x64x64xi32>
    %iota3A_72 = tpu.iota {dimensions = array<i32: 2>} : vector<32x64x64xi32>
    %eq3A_73 = arith.cmpi eq, %iota3A_71, %iota3A_72 : vector<32x64x64xi32>
    %jit3A_74 = arith.constant 0.000000e+00 : f32
    %broadcast_in_dim3A_75 = vector.broadcast %jit3A_74 : f32 to vector<32x64x64xf32>
    %select_n3A_76 = arith.select %eq3A_73, %reshape3A_70, %broadcast_in_dim3A_75 : vector<32x64x64xi1>, vector<32x64x64xf32>
    %reduce_sum3A_77 = arith.constant dense<0.000000e+00> : vector<32x64xf32>
    %reduce_sum3A_78 = vector.multi_reduction <add>, %select_n3A_76, %reduce_sum3A_77 [2] : vector<32x64x64xf32> to vector<32x64xf32>
    %sqrt3A_79 = arith.constant 5.120000e+02 : f32
    %sqrt3A_80 = math.sqrt %sqrt3A_79 : f32
    %div3A_81 = vector.broadcast %sqrt3A_80 : f32 to vector<32x64xf32>
    %div3A_82 = arith.divf %reduce_sum3A_78, %div3A_81 : vector<32x64xf32>
    %swap3A_83 = arith.constant 64 : index
    %swap3A_84 = arith.constant 0 : index
    %swap3A_85 = vector.load %arg5[%swap3A_83, %swap3A_84] : memref<128x64xf32, #tpu.memory_space<vmem>>, vector<32x64xf32>
    tpu.vector_store %arg5[%swap3A_83, %swap3A_84], %div3A_82 {strides = array<i32>} : memref<128x64xf32, #tpu.memory_space<vmem>>, vector<32x64xf32>,
    %dma_wait3A_86 = arith.constant 96 : i32
    %dma_wait3A_87 = arith.constant 0 : i32
    %dma_wait3A_88 = arith.constant 0 : i32
    %dma_wait3A_89 = tpu.memref_slice %arg1[%dma_wait3A_86, %dma_wait3A_87, %dma_wait3A_88] : memref<128x64x512xf32, #tpu.memory_space<hbm>> -> memref<32x64x512xf32, #tpu.memory_space<hbm>>
    tpu.wait_dma2 semaphore(%arg14 : memref<!tpu.dma_semaphore, #tpu.memory_space<semaphore_mem>>) src(%dma_wait3A_89 : memref<32x64x512xf32, #tpu.memory_space<hbm>>) dst(%arg9 : memref<32x64x512xf32, #tpu.memory_space<vmem>>)
    %get3A_90 = arith.constant 0 : index
    %get3A_91 = arith.constant 0 : index
    %get3A_92 = arith.constant 0 : index
    %get3A_93 = vector.load %arg9[%get3A_90, %get3A_91, %get3A_92] : memref<32x64x512xf32, #tpu.memory_space<vmem>>, vector<32x64x512xf32>
    %reshape3A_94 = vector.shape_cast %get3A_93 : vector<32x64x512xf32> to vector<2048x512xf32>
    %dot_general3A_95 = arith.constant dense<0.000000e+00> : vector<2048x64xf32>
    %dot_general3A_96 = tpu.matmul %reshape3A_94, %get3A_16, %dot_general3A_95 {dimension_numbers = #tpu.dot_dimension_numbers<[1], [1], [0], [0], [0, 0, 1, 0], [], []>, transpose_lhs_hint = false} : vector<2048x512xf32>, vector<64x512xf32>, vector<2048x64xf32> -> vector<2048x64xf32>
    %reshape3A_97 = vector.shape_cast %dot_general3A_96 : vector<2048x64xf32> to vector<32x64x64xf32>
    %iota3A_98 = tpu.iota {dimensions = array<i32: 1>} : vector<32x64x64xi32>
    %iota3A_99 = tpu.iota {dimensions = array<i32: 2>} : vector<32x64x64xi32>
    %eq3A_100 = arith.cmpi eq, %iota3A_98, %iota3A_99 : vector<32x64x64xi32>
    %jit3A_101 = arith.constant 0.000000e+00 : f32
    %broadcast_in_dim3A_102 = vector.broadcast %jit3A_101 : f32 to vector<32x64x64xf32>
    %select_n3A_103 = arith.select %eq3A_100, %reshape3A_97, %broadcast_in_dim3A_102 : vector<32x64x64xi1>, vector<32x64x64xf32>
    %reduce_sum3A_104 = arith.constant dense<0.000000e+00> : vector<32x64xf32>
    %reduce_sum3A_105 = vector.multi_reduction <add>, %select_n3A_103, %reduce_sum3A_104 [2] : vector<32x64x64xf32> to vector<32x64xf32>
    %sqrt3A_106 = arith.constant 5.120000e+02 : f32
    %sqrt3A_107 = math.sqrt %sqrt3A_106 : f32
    %div3A_108 = vector.broadcast %sqrt3A_107 : f32 to vector<32x64xf32>
    %div3A_109 = arith.divf %reduce_sum3A_105, %div3A_108 : vector<32x64xf32>
    %swap3A_110 = arith.constant 96 : index
    %swap3A_111 = arith.constant 0 : index
    %swap3A_112 = vector.load %arg5[%swap3A_110, %swap3A_111] : memref<128x64xf32, #tpu.memory_space<vmem>>, vector<32x64xf32>
    tpu.vector_store %arg5[%swap3A_110, %swap3A_111], %div3A_109 {strides = array<i32>} : memref<128x64xf32, #tpu.memory_space<vmem>>, vector<32x64xf32>,
    %get3A_113 = arith.constant 0 : index
    %get3A_114 = arith.constant 0 : index
    %get3A_115 = vector.load %arg5[%get3A_113, %get3A_114] : memref<128x64xf32, #tpu.memory_space<vmem>>, vector<128x64xf32>
    %reduce_max3A = arith.constant dense<0xFF800000> : vector<64xf32>
    %reduce_max3A_116 = vector.multi_reduction <maximumf>, %get3A_115, %reduce_max3A [0] : vector<128x64xf32> to vector<64xf32>
    %broadcast_in_dim3A_117 = vector.shape_cast %reduce_max3A_116 : vector<64xf32> to vector<1x64xf32>
    %sub3A = vector.broadcast %broadcast_in_dim3A_117 : vector<1x64xf32> to vector<128x64xf32>
    %sub3A_118 = arith.subf %get3A_115, %sub3A : vector<128x64xf32>
    %exp3A = math.exp %sub3A_118 : vector<128x64xf32>
    %reduce_sum3A_119 = arith.constant dense<0.000000e+00> : vector<64xf32>
    %reduce_sum3A_120 = vector.multi_reduction <add>, %exp3A, %reduce_sum3A_119 [0] : vector<128x64xf32> to vector<64xf32>
    %broadcast_in_dim3A_121 = vector.shape_cast %reduce_sum3A_120 : vector<64xf32> to vector<1x64xf32>
    %div3A_122 = vector.broadcast %broadcast_in_dim3A_121 : vector<1x64xf32> to vector<128x64xf32>
    %div3A_123 = arith.divf %exp3A, %div3A_122 : vector<128x64xf32>
    %iota3A_124 = tpu.iota {dimensions = array<i32: 0>} : vector<128x64xi32>
    %reduce_max3A_125 = arith.constant dense<0xFF800000> : vector<64xf32>
    %reduce_max3A_126 = vector.multi_reduction <maximumf>, %div3A_123, %reduce_max3A_125 [0] : vector<128x64xf32> to vector<64xf32>
    %broadcast_in_dim3A_127 = vector.shape_cast %reduce_max3A_126 : vector<64xf32> to vector<1x64xf32>
    %eq3A_128 = vector.broadcast %broadcast_in_dim3A_127 : vector<1x64xf32> to vector<128x64xf32>
    %eq3A_129 = arith.cmpf oeq, %div3A_123, %eq3A_128 : vector<128x64xf32>
    %jit3A_130 = arith.constant 128 : i32
    %broadcast_in_dim3A_131 = vector.broadcast %jit3A_130 : i32 to vector<128x64xi32>
    %select_n3A_132 = arith.select %eq3A_129, %iota3A_124, %broadcast_in_dim3A_131 : vector<128x64xi1>, vector<128x64xi32>
    %reduce_min3A = arith.constant dense<2147483647> : vector<64xi32>
    %reduce_min3A_133 = vector.multi_reduction <minsi>, %select_n3A_132, %reduce_min3A [0] : vector<128x64xi32> to vector<64xi32>
    %broadcast_in_dim3A_134 = vector.shape_cast %reduce_min3A_133 : vector<64xi32> to vector<1x64xi32>
    %eq3A_135 = vector.broadcast %broadcast_in_dim3A_134 : vector<1x64xi32> to vector<128x64xi32>
    %eq3A_136 = arith.cmpi eq, %iota3A_124, %eq3A_135 : vector<128x64xi32>
    %jit3A_137 = arith.constant -1.000000e+00 : f32
    %broadcast_in_dim3A_138 = vector.broadcast %jit3A_137 : f32 to vector<128x64xf32>
    %select_n3A_139 = arith.select %eq3A_136, %broadcast_in_dim3A_138, %div3A_123 : vector<128x64xi1>, vector<128x64xf32>
    %reduce_max3A_140 = arith.constant dense<0xFF800000> : vector<64xf32>
    %reduce_max3A_141 = vector.multi_reduction <maximumf>, %select_n3A_139, %reduce_max3A_140 [0] : vector<128x64xf32> to vector<64xf32>
    %broadcast_in_dim3A_142 = vector.shape_cast %reduce_max3A_141 : vector<64xf32> to vector<1x64xf32>
    %eq3A_143 = vector.broadcast %broadcast_in_dim3A_142 : vector<1x64xf32> to vector<128x64xf32>
    %eq3A_144 = arith.cmpf oeq, %select_n3A_139, %eq3A_143 : vector<128x64xf32>
    %jit3A_145 = arith.constant 128 : i32
    %broadcast_in_dim3A_146 = vector.broadcast %jit3A_145 : i32 to vector<128x64xi32>
    %select_n3A_147 = arith.select %eq3A_144, %iota3A_124, %broadcast_in_dim3A_146 : vector<128x64xi1>, vector<128x64xi32>
    %reduce_min3A_148 = arith.constant dense<2147483647> : vector<64xi32>
    %reduce_min3A_149 = vector.multi_reduction <minsi>, %select_n3A_147, %reduce_min3A_148 [0] : vector<128x64xi32> to vector<64xi32>
    %broadcast_in_dim3A_150 = vector.shape_cast %reduce_min3A_149 : vector<64xi32> to vector<1x64xi32>
    %eq3A_151 = vector.broadcast %broadcast_in_dim3A_150 : vector<1x64xi32> to vector<128x64xi32>
    %eq3A_152 = arith.cmpi eq, %iota3A_124, %eq3A_151 : vector<128x64xi32>
    %jit3A_153 = arith.constant -1.000000e+00 : f32
    %broadcast_in_dim3A_154 = vector.broadcast %jit3A_153 : f32 to vector<128x64xf32>
    %select_n3A_155 = arith.select %eq3A_152, %broadcast_in_dim3A_154, %select_n3A_139 : vector<128x64xi1>, vector<128x64xf32>
    %reduce_max3A_156 = arith.constant dense<0xFF800000> : vector<64xf32>
    %reduce_max3A_157 = vector.multi_reduction <maximumf>, %select_n3A_155, %reduce_max3A_156 [0] : vector<128x64xf32> to vector<64xf32>
    %broadcast_in_dim3A_158 = vector.shape_cast %reduce_max3A_157 : vector<64xf32> to vector<1x64xf32>
    %eq3A_159 = vector.broadcast %broadcast_in_dim3A_158 : vector<1x64xf32> to vector<128x64xf32>
    %eq3A_160 = arith.cmpf oeq, %select_n3A_155, %eq3A_159 : vector<128x64xf32>
    %jit3A_161 = arith.constant 128 : i32
    %broadcast_in_dim3A_162 = vector.broadcast %jit3A_161 : i32 to vector<128x64xi32>
    %select_n3A_163 = arith.select %eq3A_160, %iota3A_124, %broadcast_in_dim3A_162 : vector<128x64xi1>, vector<128x64xi32>
    %reduce_min3A_164 = arith.constant dense<2147483647> : vector<64xi32>
    %reduce_min3A_165 = vector.multi_reduction <minsi>, %select_n3A_163, %reduce_min3A_164 [0] : vector<128x64xi32> to vector<64xi32>
    %broadcast_in_dim3A_166 = vector.shape_cast %reduce_min3A_165 : vector<64xi32> to vector<1x64xi32>
    %eq3A_167 = vector.broadcast %broadcast_in_dim3A_166 : vector<1x64xi32> to vector<128x64xi32>
    %eq3A_168 = arith.cmpi eq, %iota3A_124, %eq3A_167 : vector<128x64xi32>
    %jit3A_169 = arith.constant -1.000000e+00 : f32
    %broadcast_in_dim3A_170 = vector.broadcast %jit3A_169 : f32 to vector<128x64xf32>
    %select_n3A_171 = arith.select %eq3A_168, %broadcast_in_dim3A_170, %select_n3A_155 : vector<128x64xi1>, vector<128x64xf32>
    %reduce_max3A_172 = arith.constant dense<0xFF800000> : vector<64xf32>
    %reduce_max3A_173 = vector.multi_reduction <maximumf>, %select_n3A_171, %reduce_max3A_172 [0] : vector<128x64xf32> to vector<64xf32>
    %broadcast_in_dim3A_174 = vector.shape_cast %reduce_max3A_173 : vector<64xf32> to vector<1x64xf32>
    %eq3A_175 = vector.broadcast %broadcast_in_dim3A_174 : vector<1x64xf32> to vector<128x64xf32>
    %eq3A_176 = arith.cmpf oeq, %select_n3A_171, %eq3A_175 : vector<128x64xf32>
    %jit3A_177 = arith.constant 128 : i32
    %broadcast_in_dim3A_178 = vector.broadcast %jit3A_177 : i32 to vector<128x64xi32>
    %select_n3A_179 = arith.select %eq3A_176, %iota3A_124, %broadcast_in_dim3A_178 : vector<128x64xi1>, vector<128x64xi32>
    %reduce_min3A_180 = arith.constant dense<2147483647> : vector<64xi32>
    %reduce_min3A_181 = vector.multi_reduction <minsi>, %select_n3A_179, %reduce_min3A_180 [0] : vector<128x64xi32> to vector<64xi32>
    %broadcast_in_dim3A_182 = vector.shape_cast %reduce_min3A_181 : vector<64xi32> to vector<1x64xi32>
    %eq3A_183 = vector.broadcast %broadcast_in_dim3A_182 : vector<1x64xi32> to vector<128x64xi32>
    %eq3A_184 = arith.cmpi eq, %iota3A_124, %eq3A_183 : vector<128x64xi32>
    %jit3A_185 = arith.constant -1.000000e+00 : f32
    %broadcast_in_dim3A_186 = vector.broadcast %jit3A_185 : f32 to vector<128x64xf32>
    %select_n3A_187 = arith.select %eq3A_184, %broadcast_in_dim3A_186, %select_n3A_171 : vector<128x64xi1>, vector<128x64xf32>
    %reduce_max3A_188 = arith.constant dense<0xFF800000> : vector<64xf32>
    %reduce_max3A_189 = vector.multi_reduction <maximumf>, %select_n3A_187, %reduce_max3A_188 [0] : vector<128x64xf32> to vector<64xf32>
    %broadcast_in_dim3A_190 = vector.shape_cast %reduce_max3A_189 : vector<64xf32> to vector<1x64xf32>
    %eq3A_191 = vector.broadcast %broadcast_in_dim3A_190 : vector<1x64xf32> to vector<128x64xf32>
    %eq3A_192 = arith.cmpf oeq, %select_n3A_187, %eq3A_191 : vector<128x64xf32>
    %jit3A_193 = arith.constant 128 : i32
    %broadcast_in_dim3A_194 = vector.broadcast %jit3A_193 : i32 to vector<128x64xi32>
    %select_n3A_195 = arith.select %eq3A_192, %iota3A_124, %broadcast_in_dim3A_194 : vector<128x64xi1>, vector<128x64xi32>
    %reduce_min3A_196 = arith.constant dense<2147483647> : vector<64xi32>
    %reduce_min3A_197 = vector.multi_reduction <minsi>, %select_n3A_195, %reduce_min3A_196 [0] : vector<128x64xi32> to vector<64xi32>
    %broadcast_in_dim3A_198 = vector.shape_cast %reduce_min3A_197 : vector<64xi32> to vector<1x64xi32>
    %eq3A_199 = vector.broadcast %broadcast_in_dim3A_198 : vector<1x64xi32> to vector<128x64xi32>
    %eq3A_200 = arith.cmpi eq, %iota3A_124, %eq3A_199 : vector<128x64xi32>
    %jit3A_201 = arith.constant -1.000000e+00 : f32
    %broadcast_in_dim3A_202 = vector.broadcast %jit3A_201 : f32 to vector<128x64xf32>
    %select_n3A_203 = arith.select %eq3A_200, %broadcast_in_dim3A_202, %select_n3A_187 : vector<128x64xi1>, vector<128x64xf32>
    %reduce_max3A_204 = arith.constant dense<0xFF800000> : vector<64xf32>
    %reduce_max3A_205 = vector.multi_reduction <maximumf>, %select_n3A_203, %reduce_max3A_204 [0] : vector<128x64xf32> to vector<64xf32>
    %broadcast_in_dim3A_206 = vector.shape_cast %reduce_max3A_205 : vector<64xf32> to vector<1x64xf32>
    %eq3A_207 = vector.broadcast %broadcast_in_dim3A_206 : vector<1x64xf32> to vector<128x64xf32>
    %eq3A_208 = arith.cmpf oeq, %select_n3A_203, %eq3A_207 : vector<128x64xf32>
    %jit3A_209 = arith.constant 128 : i32
    %broadcast_in_dim3A_210 = vector.broadcast %jit3A_209 : i32 to vector<128x64xi32>
    %select_n3A_211 = arith.select %eq3A_208, %iota3A_124, %broadcast_in_dim3A_210 : vector<128x64xi1>, vector<128x64xi32>
    %reduce_min3A_212 = arith.constant dense<2147483647> : vector<64xi32>
    %reduce_min3A_213 = vector.multi_reduction <minsi>, %select_n3A_211, %reduce_min3A_212 [0] : vector<128x64xi32> to vector<64xi32>
    %broadcast_in_dim3A_214 = vector.shape_cast %reduce_min3A_213 : vector<64xi32> to vector<1x64xi32>
    %eq3A_215 = vector.broadcast %broadcast_in_dim3A_214 : vector<1x64xi32> to vector<128x64xi32>
    %eq3A_216 = arith.cmpi eq, %iota3A_124, %eq3A_215 : vector<128x64xi32>
    %jit3A_217 = arith.constant -1.000000e+00 : f32
    %broadcast_in_dim3A_218 = vector.broadcast %jit3A_217 : f32 to vector<128x64xf32>
    %select_n3A_219 = arith.select %eq3A_216, %broadcast_in_dim3A_218, %select_n3A_203 : vector<128x64xi1>, vector<128x64xf32>
    %reduce_max3A_220 = arith.constant dense<0xFF800000> : vector<64xf32>
    %reduce_max3A_221 = vector.multi_reduction <maximumf>, %select_n3A_219, %reduce_max3A_220 [0] : vector<128x64xf32> to vector<64xf32>
    %broadcast_in_dim3A_222 = vector.shape_cast %reduce_max3A_221 : vector<64xf32> to vector<1x64xf32>
    %eq3A_223 = vector.broadcast %broadcast_in_dim3A_222 : vector<1x64xf32> to vector<128x64xf32>
    %eq3A_224 = arith.cmpf oeq, %select_n3A_219, %eq3A_223 : vector<128x64xf32>
    %jit3A_225 = arith.constant 128 : i32
    %broadcast_in_dim3A_226 = vector.broadcast %jit3A_225 : i32 to vector<128x64xi32>
    %select_n3A_227 = arith.select %eq3A_224, %iota3A_124, %broadcast_in_dim3A_226 : vector<128x64xi1>, vector<128x64xi32>
    %reduce_min3A_228 = arith.constant dense<2147483647> : vector<64xi32>
    %reduce_min3A_229 = vector.multi_reduction <minsi>, %select_n3A_227, %reduce_min3A_228 [0] : vector<128x64xi32> to vector<64xi32>
    %broadcast_in_dim3A_230 = vector.shape_cast %reduce_min3A_229 : vector<64xi32> to vector<1x64xi32>
    %eq3A_231 = vector.broadcast %broadcast_in_dim3A_230 : vector<1x64xi32> to vector<128x64xi32>
    %eq3A_232 = arith.cmpi eq, %iota3A_124, %eq3A_231 : vector<128x64xi32>
    %jit3A_233 = arith.constant -1.000000e+00 : f32
    %broadcast_in_dim3A_234 = vector.broadcast %jit3A_233 : f32 to vector<128x64xf32>
    %select_n3A_235 = arith.select %eq3A_232, %broadcast_in_dim3A_234, %select_n3A_219 : vector<128x64xi1>, vector<128x64xf32>
    %reduce_max3A_236 = arith.constant dense<0xFF800000> : vector<64xf32>
    %reduce_max3A_237 = vector.multi_reduction <maximumf>, %select_n3A_235, %reduce_max3A_236 [0] : vector<128x64xf32> to vector<64xf32>
    %broadcast_in_dim3A_238 = vector.shape_cast %reduce_max3A_237 : vector<64xf32> to vector<1x64xf32>
    %eq3A_239 = vector.broadcast %broadcast_in_dim3A_238 : vector<1x64xf32> to vector<128x64xf32>
    %eq3A_240 = arith.cmpf oeq, %select_n3A_235, %eq3A_239 : vector<128x64xf32>
    %jit3A_241 = arith.constant 128 : i32
    %broadcast_in_dim3A_242 = vector.broadcast %jit3A_241 : i32 to vector<128x64xi32>
    %select_n3A_243 = arith.select %eq3A_240, %iota3A_124, %broadcast_in_dim3A_242 : vector<128x64xi1>, vector<128x64xi32>
    %reduce_min3A_244 = arith.constant dense<2147483647> : vector<64xi32>
    %reduce_min3A_245 = vector.multi_reduction <minsi>, %select_n3A_243, %reduce_min3A_244 [0] : vector<128x64xi32> to vector<64xi32>
    %broadcast_in_dim3A_246 = vector.shape_cast %reduce_min3A_245 : vector<64xi32> to vector<1x64xi32>
    %concatenate3A = tpu.concatenate %broadcast_in_dim3A_134, %broadcast_in_dim3A_150, %broadcast_in_dim3A_166, %broadcast_in_dim3A_182, %broadcast_in_dim3A_198, %broadcast_in_dim3A_214, %broadcast_in_dim3A_230, %broadcast_in_dim3A_246 in 0 : vector<1x64xi32>, vector<1x64xi32>, vector<1x64xi32>, vector<1x64xi32>, vector<1x64xi32>, vector<1x64xi32>, vector<1x64xi32>, vector<1x64xi32> -> vector<8x64xi32>
    %concatenate3A_247 = tpu.concatenate %broadcast_in_dim3A_127, %broadcast_in_dim3A_142, %broadcast_in_dim3A_158, %broadcast_in_dim3A_174, %broadcast_in_dim3A_190, %broadcast_in_dim3A_206, %broadcast_in_dim3A_222, %broadcast_in_dim3A_238 in 0 : vector<1x64xf32>, vector<1x64xf32>, vector<1x64xf32>, vector<1x64xf32>, vector<1x64xf32>, vector<1x64xf32>, vector<1x64xf32>, vector<1x64xf32> -> vector<8x64xf32>
    %reduce_max3A_248 = arith.constant dense<0xFF800000> : vector<64xf32>
    %reduce_max3A_249 = vector.multi_reduction <maximumf>, %concatenate3A_247, %reduce_max3A_248 [0] : vector<8x64xf32> to vector<64xf32>
    %broadcast_in_dim3A_250 = vector.shape_cast %reduce_max3A_249 : vector<64xf32> to vector<1x64xf32>
    %sub3A_251 = vector.broadcast %broadcast_in_dim3A_250 : vector<1x64xf32> to vector<8x64xf32>
    %sub3A_252 = arith.subf %concatenate3A_247, %sub3A_251 : vector<8x64xf32>
    %exp3A_253 = math.exp %sub3A_252 : vector<8x64xf32>
    %reduce_sum3A_254 = arith.constant dense<0.000000e+00> : vector<64xf32>
    %reduce_sum3A_255 = vector.multi_reduction <add>, %exp3A_253, %reduce_sum3A_254 [0] : vector<8x64xf32> to vector<64xf32>
    %broadcast_in_dim3A_256 = vector.shape_cast %reduce_sum3A_255 : vector<64xf32> to vector<1x64xf32>
    %div3A_257 = vector.broadcast %broadcast_in_dim3A_256 : vector<1x64xf32> to vector<8x64xf32>
    %div3A_258 = arith.divf %exp3A_253, %div3A_257 : vector<8x64xf32>
    %swap3A_259 = arith.constant 0 : index
    %swap3A_260 = arith.constant 0 : index
    %swap3A_261 = vector.load %arg2[%swap3A_259, %swap3A_260] : memref<8x64xf32, #tpu.memory_space<vmem>>, vector<8x64xf32>
    tpu.vector_store %arg2[%swap3A_259, %swap3A_260], %div3A_258 {strides = array<i32>} : memref<8x64xf32, #tpu.memory_space<vmem>>, vector<8x64xf32>,
    %concatenate3A_262 = tpu.concatenate %concatenate3A, %concatenate3A in 1 : vector<8x64xi32>, vector<8x64xi32> -> vector<8x128xi32>
    %broadcast_in_dim3A_263 = vector.shape_cast %concatenate3A_262 : vector<8x128xi32> to vector<8x1x128xi32>
    %broadcast_in_dim3A_264 = vector.shape_cast %broadcast_in_dim3A_263 : vector<8x1x128xi32> to vector<8x1x128xi32>
    %broadcast_in_dim3A_265 = vector.broadcast %broadcast_in_dim3A_264 : vector<8x1x128xi32> to vector<8x10x128xi32>
    %reshape3A_266 = vector.shape_cast %broadcast_in_dim3A_265 : vector<8x10x128xi32> to vector<80x128xi32>
    %iota3A_267 = tpu.iota {dimensions = array<i32: 0>} : vector<80x128xi32>
    %iota3A_268 = tpu.iota {dimensions = array<i32: 1>} : vector<80x128xi32>
    %mul3A = arith.constant 2 : i32
    %mul3A_269 = vector.broadcast %mul3A : i32 to vector<80x128xi32>
    %mul3A_270 = arith.muli %mul3A_269, %iota3A_267 : vector<80x128xi32>
    %jit3A_271 = arith.constant 64 : i32
    %div3A_272 = vector.broadcast %jit3A_271 : i32 to vector<80x128xi32>
    %div3A_273 = arith.divsi %iota3A_268, %div3A_272 : vector<80x128xi32>
    %sign3A = arith.constant 0 : i32
    %sign3A_274 = vector.broadcast %sign3A : i32 to vector<80x128xi32>
    %sign3A_275 = arith.cmpi sgt, %iota3A_268, %sign3A_274 : vector<80x128xi32>
    %sign3A_276 = arith.extui %sign3A_275 : vector<80x128xi1> to vector<80x128xi32>
    %sign3A_277 = arith.constant 0 : i32
    %sign3A_278 = vector.broadcast %sign3A_277 : i32 to vector<80x128xi32>
    %sign3A_279 = arith.cmpi slt, %iota3A_268, %sign3A_278 : vector<80x128xi32>
    %sign3A_280 = arith.extui %sign3A_279 : vector<80x128xi1> to vector<80x128xi32>
    %sign3A_281 = arith.subi %sign3A_276, %sign3A_280 : vector<80x128xi32>
    %sign3A_282 = arith.constant 0 : i32
    %sign3A_283 = arith.cmpi sgt, %jit3A_271, %sign3A_282 : i32
    %sign3A_284 = arith.extui %sign3A_283 : i1 to i32
    %sign3A_285 = arith.constant 0 : i32
    %sign3A_286 = arith.cmpi slt, %jit3A_271, %sign3A_285 : i32
    %sign3A_287 = arith.extui %sign3A_286 : i1 to i32
    %sign3A_288 = arith.subi %sign3A_284, %sign3A_287 : i32
    %ne3A = vector.broadcast %sign3A_288 : i32 to vector<80x128xi32>
    %ne3A_289 = arith.cmpi ne, %sign3A_281, %ne3A : vector<80x128xi32>
    %rem3A = vector.broadcast %jit3A_271 : i32 to vector<80x128xi32>
    %rem3A_290 = arith.remsi %iota3A_268, %rem3A : vector<80x128xi32>
    %ne3A_291 = arith.constant 0 : i32
    %ne3A_292 = vector.broadcast %ne3A_291 : i32 to vector<80x128xi32>
    %ne3A_293 = arith.cmpi ne, %rem3A_290, %ne3A_292 : vector<80x128xi32>
    %and3A = arith.andi %ne3A_289, %ne3A_293 : vector<80x128xi1>
    %sub3A_294 = arith.constant 1 : i32
    %sub3A_295 = vector.broadcast %sub3A_294 : i32 to vector<80x128xi32>
    %sub3A_296 = arith.subi %div3A_273, %sub3A_295 : vector<80x128xi32>
    %select_n3A_297 = arith.select %and3A, %sub3A_296, %div3A_273 : vector<80x128xi1>, vector<80x128xi32>
    %add3A = arith.addi %mul3A_270, %select_n3A_297 : vector<80x128xi32>
    %jit3A_298 = arith.constant 20 : i32
    %eq3A_299 = arith.constant 0 : i32
    %eq3A_300 = arith.cmpi eq, %jit3A_298, %eq3A_299 : i32
    %jit3A_301 = arith.constant 1 : i32
    %select_n3A_302 = arith.select %eq3A_300, %jit3A_301, %jit3A_298 : i32
    %rem3A_303 = vector.broadcast %select_n3A_302 : i32 to vector<80x128xi32>
    %rem3A_304 = arith.remsi %add3A, %rem3A_303 : vector<80x128xi32>
    %ne3A_305 = arith.constant 0 : i32
    %ne3A_306 = vector.broadcast %ne3A_305 : i32 to vector<80x128xi32>
    %ne3A_307 = arith.cmpi ne, %rem3A_304, %ne3A_306 : vector<80x128xi32>
    %lt3A = arith.constant 0 : i32
    %lt3A_308 = vector.broadcast %lt3A : i32 to vector<80x128xi32>
    %lt3A_309 = arith.cmpi slt, %rem3A_304, %lt3A_308 : vector<80x128xi32>
    %lt3A_310 = arith.constant 0 : i32
    %lt3A_311 = arith.cmpi slt, %select_n3A_302, %lt3A_310 : i32
    %ne3A_312 = vector.broadcast %lt3A_311 : i1 to vector<80x128xi1>
    %ne3A_313 = vector.broadcast %ne3A_312 : vector<80x128xi1> to vector<80x128xi1>
    %ne3A_314 = arith.xori %lt3A_309, %ne3A_313 : vector<80x128xi1>
    %and3A_315 = arith.andi %ne3A_314, %ne3A_307 : vector<80x128xi1>
    %add3A_316 = vector.broadcast %select_n3A_302 : i32 to vector<80x128xi32>
    %add3A_317 = arith.addi %rem3A_304, %add3A_316 : vector<80x128xi32>
    %select_n3A_318 = arith.select %and3A_315, %add3A_317, %rem3A_304 : vector<80x128xi1>, vector<80x128xi32>
    %jit3A_319 = arith.constant 64 : i32
    %eq3A_320 = arith.constant 0 : i32
    %eq3A_321 = arith.cmpi eq, %jit3A_319, %eq3A_320 : i32
    %jit3A_322 = arith.constant 1 : i32
    %select_n3A_323 = arith.select %eq3A_321, %jit3A_322, %jit3A_319 : i32
    %rem3A_324 = vector.broadcast %select_n3A_323 : i32 to vector<80x128xi32>
    %rem3A_325 = arith.remsi %iota3A_268, %rem3A_324 : vector<80x128xi32>
    %ne3A_326 = arith.constant 0 : i32
    %ne3A_327 = vector.broadcast %ne3A_326 : i32 to vector<80x128xi32>
    %ne3A_328 = arith.cmpi ne, %rem3A_325, %ne3A_327 : vector<80x128xi32>
    %lt3A_329 = arith.constant 0 : i32
    %lt3A_330 = vector.broadcast %lt3A_329 : i32 to vector<80x128xi32>
    %lt3A_331 = arith.cmpi slt, %rem3A_325, %lt3A_330 : vector<80x128xi32>
    %lt3A_332 = arith.constant 0 : i32
    %lt3A_333 = arith.cmpi slt, %select_n3A_323, %lt3A_332 : i32
    %ne3A_334 = vector.broadcast %lt3A_333 : i1 to vector<80x128xi1>
    %ne3A_335 = vector.broadcast %ne3A_334 : vector<80x128xi1> to vector<80x128xi1>
    %ne3A_336 = arith.xori %lt3A_331, %ne3A_335 : vector<80x128xi1>
    %and3A_337 = arith.andi %ne3A_336, %ne3A_328 : vector<80x128xi1>
    %add3A_338 = vector.broadcast %select_n3A_323 : i32 to vector<80x128xi32>
    %add3A_339 = arith.addi %rem3A_325, %add3A_338 : vector<80x128xi32>
    %select_n3A_340 = arith.select %and3A_337, %add3A_339, %rem3A_325 : vector<80x128xi1>, vector<80x128xi32>
    %mul3A_341 = arith.constant 1280 : i32
    %mul3A_342 = vector.broadcast %mul3A_341 : i32 to vector<80x128xi32>
    %mul3A_343 = arith.muli %reshape3A_266, %mul3A_342 : vector<80x128xi32>
    %mul3A_344 = arith.constant 64 : i32
    %mul3A_345 = vector.broadcast %mul3A_344 : i32 to vector<80x128xi32>
    %mul3A_346 = arith.muli %select_n3A_318, %mul3A_345 : vector<80x128xi32>
    %add3A_347 = arith.addi %mul3A_343, %mul3A_346 : vector<80x128xi32>
    %add3A_348 = arith.addi %add3A_347, %select_n3A_340 : vector<80x128xi32>
    %swap3A_349 = arith.constant 0 : index
    %swap3A_350 = arith.constant 0 : index
    %swap3A_351 = vector.load %arg3[%swap3A_349, %swap3A_350] : memref<80x128xi32, #tpu.memory_space<vmem>>, vector<80x128xi32>
    tpu.vector_store %arg3[%swap3A_349, %swap3A_350], %add3A_348 {strides = array<i32>} : memref<80x128xi32, #tpu.memory_space<vmem>>, vector<80x128xi32>,
    return
  }
}

</mosaic_0001>

<sc_bundles>
// kernel: kernel.4.cloned.1.call-start
scs
__scs_entry_jumppad:
0x0: {  	(pc) =	sbr.rel $0x88, $3  }
0x1: {  	(tag) =	ssettag $0x0;
	lr =	simm.s32 $0x1  }
0x2: {  	[smem:$0x3F9E] =	sst lr;
	_ =	strace $0xD0000000  }
0x3: {  	_ = 	snop  }
0x4: {  	_ = 	snop  }
0x5: {  	_ = 	snop  }
0x6: {  	_ = 	snop  }
0x7: {  	_ = 	snop  }
__scs_overlays_trampoline_lowered:
0x8: {  	[smem:$0x3FAD] =	sst s0  }
0x9: {  	[smem:$0x3FAE] =	sst s1  }
0xa: {  	[smem:$0x3FAF] =	sst s2  }
0xb: {  	[smem:$0x3FB0] =	sst s3  }
0xc: {  	[smem:$0x3FB1] =	sst s4  }
0xd: {  	[smem:$0x3FB2] =	sst s5  }
0xe: {  	[smem:$0x3FB3] =	sst s6  }
0xf: {  	[smem:$0x3FB4] =	sst s7  }
0x10: {  	[smem:$0x3FB5] =	sst s8  }
0x11: {  	[smem:$0x3FB6] =	sst s9;
	s0 =	simm.s32 @!p0 $0x0  }
0x12: {  	s1 =	sld [smem:$0x3F9C];
	s0 =	simm.s32 @p0 $0x1  }
0x13: {  	[smem:$0x3FB7] =	sst s0;
	s0 =	simm.s32 @!p1 $0x0  }
0x14: {  	s2 =	sld [smem:$0x3F9B];
	s0 =	simm.s32 @p1 $0x1  }
0x15: {  	[smem:$0x3FB8] =	sst s0;
	s0 =	simm.s32 @!p2 $0x0  }
0x16: {  	s3 =	sld [smem:$0x3FDB];
	s0 =	simm.s32 @p2 $0x1  }
0x17: {  	s4 =	simm.s32 $0x1BF5;
	[smem:$0x3FBA] =	sst s0  }
0x18: {  	s0 =	sld [smem:$0x3F9D];
	_ =	swait.ge [sflag:s4], $0x0  }
0x19: {  	s7 =	sld [smem:$0x3F9E]  }
0x1a: {  	s8 =	sadd.s32 $0xFFFFE003, lr  }
0x1b: {  	s9 =	sadd.s32 $0xFFFFFEF7, lr;
	s5 =	simm.s32 $0xFFFFFFFF;
	p2 =	slt.u32 s8, $0xFFFFF086  }
0x1c: {  	p1 =	slt.u32 s9, $0xF7A;
	s5 =	simm.s32 @!p2 $0x0  }
0x1d: {  	s5 =	simm.s32 @p1 $0x1;
	p0 =	seq.s32 s7, s2  }
0x1e: {  	s7 =	smul.u32 @!p0 $0xF7A, s2;
	p2 =	seq.s32 @!p0 s5, $0x0  }
0x1f: {  	s9 =	smul.u32 $0xF7A, s1;
	s8 =	simm.s32 @!p0 $0x1BF5;
	p2 =	por !p2, p0  }
0x20: {  	[sflag:s8] =	ssyncset.s32 @!p0 $0xFFFFF086;
	s6 =	sadd.s32 @!p0 s3, s7;
	s7 =	simm.s32 @!p0 $0x108  }
0x21: {  	s3 =	sadd.s32 s3, s9;
	s6 =	sadd.s32 @!p0 $0x88, s6;
	s7 =	simm.s32 @p2 $0x1082  }
0x22: {  	[simem:s7], [sflag:s8] =	dma.local @!p0 [hbm:s6], $0xF7A  }
0x23: {  	s9 =	sor.u32 $0xD0000000, s2;
	s6 =	simm.s32 $0x108;
	_ =	swait.ge @!p0 [sflag:s8], $0x0  }
0x24: {  	s3 =	sadd.s32 $0x88, s3;
	s6 =	simm.s32 @!p1 $0x1082;
	[sflag:s4] =	ssyncset.s32 $0xFFFFF086  }
0x25: {  	[simem:s6], [sflag:s4] =	dma.local [hbm:s3], $0xF7A  }
0x26: {  	[smem:$0x3F9E] =	sst s1;
	(tag) =	ssettag s2;
	_ =	strace s9  }
0x27: {  	s1 =	sld [smem:$0x3FAE]  }
0x28: {  	s2 =	sld [smem:$0x3FAF]  }
0x29: {  	s4 =	sld [smem:$0x3FB1]  }
0x2a: {  	p0 =	seq.s32 s5, $0x0;
	s5 =	sld [smem:$0x3FB2]  }
0x2b: {  	s6 =	sld [smem:$0x3FB3]  }
0x2c: {  	s7 =	sld [smem:$0x3FB4]  }
0x2d: {  	s3 =	simm.s32 $0x108;
	s8 =	sld [smem:$0x3FB5]  }
0x2e: {  	s3 =	simm.s32 @!p0 $0x1082;
	s9 =	sld [smem:$0x3FB6]  }
0x2f: {  	lr =	sadd.s32 s0, s3;
	s0 =	sld [smem:$0x3FAD]  }
0x30: {  	s3 =	sld [smem:$0x3FB0]  }
0x31: {  	[smem:$0x3FB9] =	sst s10  }
0x32: {  	s10 =	sld [smem:$0x3FB7];
	_ =	sdelay $0x3  }
0x33: {  	p0 =	seq.s32 s10, $0x1;
	s10 =	sld [smem:$0x3FB9];
	_ =	sdelay $0x3  }
0x34: {  	[smem:$0x3FB9] =	sst s10  }
0x35: {  	s10 =	sld [smem:$0x3FB8];
	_ =	sdelay $0x3  }
0x36: {  	p1 =	seq.s32 s10, $0x1;
	s10 =	sld [smem:$0x3FB9];
	_ =	sdelay $0x3  }
0x37: {  	[smem:$0x3FB9] =	sst s10  }
0x38: {  	s10 =	sld [smem:$0x3FBA]  }
0x39: {  	_ = 	snop;
	(pc) =	sbr.ind lr, $3  }
0x3a: {  	_ = 	snop  }
0x3b: {  	_ = 	snop  }
0x3c: {  	p2 =	seq.s32 s10, $0x1;
	s10 =	sld [smem:$0x3FB9]  }
0x3d: {  	_ =	shalt  }
0x3e: {  	_ =	shalt  }
0x3f: {  	_ =	shalt  }
0x40: {  	_ =	shalt  }
0x41: {  	_ =	shalt  }
0x42: {  	_ =	shalt  }
0x43: {  	_ =	shalt  }
0x44: {  	_ =	shalt  }
0x45: {  	_ =	shalt  }
0x46: {  	_ =	shalt  }
0x47: {  	_ =	shalt  }
0x48: {  	_ =	shalt  }
0x49: {  	_ =	shalt  }
0x4a: {  	_ =	shalt  }
0x4b: {  	_ =	shalt  }
0x4c: {  	_ =	shalt  }
0x4d: {  	_ =	shalt  }
0x4e: {  	_ =	shalt  }
0x4f: {  	_ =	shalt  }
0x50: {  	_ =	shalt  }
0x51: {  	_ =	shalt  }
0x52: {  	_ =	shalt  }
0x53: {  	_ =	shalt  }
0x54: {  	_ =	shalt  }
0x55: {  	_ =	shalt  }
0x56: {  	_ =	shalt  }
0x57: {  	_ =	shalt  }
0x58: {  	_ =	shalt  }
0x59: {  	_ =	shalt  }
0x5a: {  	_ =	shalt  }
0x5b: {  	_ =	shalt  }
0x5c: {  	_ =	shalt  }
0x5d: {  	_ =	shalt  }
0x5e: {  	_ =	shalt  }
0x5f: {  	_ =	shalt  }
0x60: {  	_ =	shalt  }
0x61: {  	_ =	shalt  }
0x62: {  	_ =	shalt  }
0x63: {  	_ =	shalt  }
0x64: {  	_ =	shalt  }
0x65: {  	_ =	shalt  }
0x66: {  	_ =	shalt  }
0x67: {  	_ =	shalt  }
0x68: {  	_ =	shalt  }
0x69: {  	_ =	shalt  }
0x6a: {  	_ =	shalt  }
0x6b: {  	_ =	shalt  }
0x6c: {  	_ =	shalt  }
0x6d: {  	_ =	shalt  }
0x6e: {  	_ =	shalt  }
0x6f: {  	_ =	shalt  }
0x70: {  	_ =	shalt  }
0x71: {  	_ =	shalt  }
0x72: {  	_ =	shalt  }
0x73: {  	_ =	shalt  }
0x74: {  	_ =	shalt  }
0x75: {  	_ =	shalt  }
0x76: {  	_ =	shalt  }
0x77: {  	_ =	shalt  }
0x78: {  	_ =	shalt  }
0x79: {  	_ =	shalt  }
0x7a: {  	_ =	shalt  }
0x7b: {  	_ =	shalt  }
0x7c: {  	_ =	shalt  }
0x7d: {  	_ =	shalt  }
0x7e: {  	_ =	shalt  }
0x7f: {  	_ =	shalt  }
0x80: {  	_ =	shalt  }
0x81: {  	_ =	shalt  }
0x82: {  	_ =	shalt  }
0x83: {  	_ =	shalt  }
0x84: {  	_ =	shalt  }
0x85: {  	_ =	shalt  }
0x86: {  	_ =	shalt  }
0x87: {  	_ =	shalt  }
.Lfunc_end0:
.L_simem_size_0:
called_computation_lowered:
.L_overlay_start_0:
0x88: {  	s2 =	sld [smem:$0x3FD9]  }
0x89: {  	s3 =	sld [smem:$0x3FFE];
	_ =	sdelay $0x1  }
0x8a: {  	s1 =	srdreg.scid  }
0x8b: {  	s0 =	sand.u32 $0x1, s1  }
0x8c: {  	s14 =	sshll.u32 s0, $0xA;
	s2 =	sadd.s32 s3, s2  }
0x8d: {  	s2 =	sadd.s32 s2, s14  }
0x8e: {  	[smem:$0x3FC5] =	sst s2  }
0x8f: {  	_ = 	snop  }
0x90: {  	s2 =	sld [smem:$0x3FD0];
	_ =	sdelay $0x2  }
0x91: {  	s4 =	simm.s32 $0xA;
	s5 =	simm.s32 $0x10;
	s15 =	sld [smem:$0x3FC7]  }
0x92: {  	[smem:s5], [sflag:s4] =	dma.local [hbm:s2], $0x1  }
0x93: {  	_ =	swait.eq [sflag:s4], $0x1  }
0x94: {  	[sflag:s4] =	ssyncset.done $0x0  }
0x95: {  	[sflag:s4] =	ssyncadd.s32 $0xFFFFFFFF  }
0x96: {  	s16 =	sld [smem:$0x11];
	(tm) =	ssettm $0x1  }
0x97: {  	s17 =	sld [smem:$0x3FFB];
	_ =	sdelay $0x3  }
0x98: {  	_ =	strace s17  }
0x99: {  	s4 =	sld [smem:$0x3FFC];
	_ =	sdelay $0x3  }
0x9a: {  	_ =	strace s4  }
0x9b: {  	s4 =	sld [smem:$0x3FFD];
	_ =	sdelay $0x3  }
0x9c: {  	_ =	strace s4  }
0x9d: {  	_ =	strace $0x8FFFFFFF  }
0x9e: {  	s18 =	sld [smem:$0x3FDB];
	_ =	sdelay $0x1  }
0x9f: {  	s19 =	simm.s32 $_scs_section_size  }
0xa0: {  	s6 =	simm.s32 $_size__tile_overlayer_lowered;
	s7 =	simm.s32 $_tile_overlayer_lowered  }
0xa1: {  	s22 =	simm.s32 $0x1BFF;
	s21 =	sshll.u32 s7, $0x1;
	s4 =	sadd.s32 s19, s18  }
0xa2: {  	s8 =	simm.s32 $0x0;
	s20 =	sshll.u32 s6, $0x1;
	s6 =	sadd.s32 s21, s4  }
0xa3: {  	[timem:s8], [sflag:s22] =	dma.local [hbm:s6], s20  }
0xa4: {  	_ =	swait.ge [sflag:s22], s20  }
0xa5: {  	s5 =	ssub.s32 $0x0, s20;
	[sflag:s22] =	ssyncset.done $0x0  }
0xa6: {  	[sflag:s22] =	ssyncadd.s32 s5;
	_ =	sdelay $0x1  }
0xa7: {  	s23 =	simm.s32 $0x1B8B  }
0xa8: {  	_ =	swait.ge [sflag:s23], $0x1  }
0xa9: {  	[sflag:s23] =	ssyncset.done $0x0  }
0xaa: {  	s25 =	simm.s32 $0x1B8E;
	s24 =	sld [smem:$0x3FFE];
	[sflag:s23] =	ssyncadd.s32 $0xFFFFFFFF  }
0xab: {  	s26 =	simm.s32 $execute0_lowered;
	[smem:$0x3FD2] =	sst s25  }
0xac: {  	s6 =	sshll.u32 s26, $0x1;
	_ =	strace $0x80000046;
	[dreg:$0x1] =	wrdreg $0xFFFFFFFF  }
0xad: {  	s28 =	simm.s32 $_size_execute0_lowered;
	s4 =	sadd.s32 s4, s6;
	[dreg:$0x0] =	wrdreg $0x0  }
0xae: {  	s6 =	sshll.u32 s28, $0x1;
	[dreg:$0x2] =	wrdreg s4  }
0xaf: {  	[dreg:$0x3] =	wrdreg s6  }
0xb0: {  	[dreg:$0x4] =	wrdreg $0xC0  }
0xb1: {  	_ =	task [dreg:s8], $0x5FFFF  }
0xb2: {  	[dreg:$0x1] =	wrdreg $0xFFFFFFFF  }
0xb3: {  	[dreg:$0x0] =	wrdreg $0x60  }
0xb4: {  	[dreg:$0x2] =	wrdreg s24  }
0xb5: {  	[dreg:$0x3] =	wrdreg s15  }
0xb6: {  	[dreg:$0x4] =	wrdreg s16  }
0xb7: {  	[dreg:$0x5] =	wrdreg $0x9  }
0xb8: {  	_ =	task.clear_ibuf [dreg:s8], $0x6FFFF;
	_ =	strace $0x90000046  }
0xb9: {  	s29 =	simm.s32 $0x9;
	_ =	strace $0x80000048  }
0xba: {  	_ =	swait.ge [sflag:s29], $0x1  }
0xbb: {  	[sflag:s29] =	ssyncadd.s32 $0xFFFFFFFF  }
0xbc: {  	_ =	strace $0x90000048  }
0xbd: {  	_ =	sfence  }
0xbe: {  	s30 =	sld [smem:$0x0];
	_ =	sdelay $0x2  }
0xbf: {  	s31 =	sshll.u32 s1, $0xD;
	s1 =	sshrl.u32 s1, $0x2  }
0xc0: {  	s3 =	sand.u32 $0x4000, s31;
	s1 =	sadd.s32 s1, s30  }
0xc1: {  	s0 =	sor.u32 s3, s0;
	s1 =	sshll.u32 s1, $0x11  }
0xc2: {  	s0 =	sor.u32 s1, s0  }
0xc3: {  	s0 =	sadd.s32 $0x8F2B, s0  }
0xc4: {  	[sflag:s0] =	ssyncadd.remote.s32 $0x1  }
0xc5: {  	_ =	sfence.sel $0xFFFF  }
0xc6: {  	[dreg:$0x0] =	wrdreg $0xFFFFFFFF;
	(pc) =	sbr.abs _section_cstart, $3  }
0xc7: {  	[dreg:$0x1] =	wrdreg $0xFFFFFFFF  }
0xc8: {  	_ =	task.clear_ibuf [dreg:s8], $0x2FFFF;
	_ =	strace $0x9FFFFFFF  }
0xc9: {  	(tm) =	ssettm $0x7FFFFFFF  }
tec
execute0_lowered:
.L_overlay_start_1:
0x0: {  	(tag) =	ssettag $0x1  }
0x1: {  	s0 =	srdreg.scid  }
0x2: {  	s2 =	stileid.u32;
	s1 =	rddreg [dreg:$0x0]  }
0x3: {  	s5 =	rddreg [dreg:$0x2];
	s0 =	sand.u32 $0x1, s0;
	s3 =	sshll.u32 s2, $0x1  }
0x4: {  	s2 =	rddreg [dreg:$0x1];
	s4 =	sor.u32 s0, s3;
	s3 =	simm.s32 $0x0  }
0x5: {  	s10 =	simm.s32 $0xA980;
	[smem:$0x7FF] =	sst s3  }
0x6: {  	s11 =	simm.s32 $0xB180;
	_ =	strace $0x80000047;
	[dreg:$0x9] =	wrdreg s10  }
0x7: {  	s12 =	simm.s32 $0xB980;
	[dreg:$0xa] =	wrdreg s11  }
0x8: {  	s13 =	simm.s32 $0xC180;
	[dreg:$0xb] =	wrdreg s12  }
0x9: {  	s14 =	simm.s32 $0xC980;
	[dreg:$0xc] =	wrdreg s13  }
0xa: {  	s15 =	simm.s32 $0xD180;
	[dreg:$0xd] =	wrdreg s14  }
0xb: {  	s16 =	simm.s32 $0xD980;
	[dreg:$0xe] =	wrdreg s15  }
0xc: {  	s17 =	simm.s32 $0xE180;
	[dreg:$0xf] =	wrdreg s16  }
0xd: {  	s18 =	simm.s32 $0xE980;
	[dreg:$0x10] =	wrdreg s17  }
0xe: {  	s19 =	simm.s32 $0xF180;
	[dreg:$0x11] =	wrdreg s18  }
0xf: {  	s20 =	simm.s32 $0xF980;
	[dreg:$0x12] =	wrdreg s19  }
0x10: {  	s21 =	simm.s32 $0x10180;
	[dreg:$0x13] =	wrdreg s20  }
0x11: {  	s22 =	simm.s32 $0x10980;
	[dreg:$0x14] =	wrdreg s21  }
0x12: {  	s23 =	simm.s32 $0x11180;
	[dreg:$0x15] =	wrdreg s22  }
0x13: {  	s24 =	simm.s32 $0x11980;
	[dreg:$0x16] =	wrdreg s23  }
0x14: {  	s25 =	simm.s32 $0x12180;
	[dreg:$0x17] =	wrdreg s24  }
0x15: {  	[dreg:$0x18] =	wrdreg s25;
	s10 =	simm.s32 $0x15980  }
0x16: {  	s11 =	simm.s32 $0x16180;
	[dreg:$0x1e] =	wrdreg s10  }
0x17: {  	s12 =	simm.s32 $0x16980;
	[dreg:$0x1f] =	wrdreg s11  }
0x18: {  	s13 =	simm.s32 $0x17180;
	[smem:$0x7EF] =	sst s12  }
0x19: {  	s14 =	simm.s32 $0x17980;
	[smem:$0x7F0] =	sst s13  }
0x1a: {  	s30 =	simm.s32 $0x1;
	s15 =	simm.s32 $0x18180;
	[smem:$0x7F1] =	sst s14  }
0x1b: {  	s31 =	simm.s32 $0x4;
	s16 =	simm.s32 $0x18980;
	[smem:$0x7F2] =	sst s15  }
0x1c: {  	s28 =	simm.s32 $0x8180;
	s17 =	simm.s32 $0x19180;
	[smem:$0x7F3] =	sst s16  }
0x1d: {  	s29 =	simm.s32 $0x8980;
	s18 =	simm.s32 $0x19980;
	[smem:$0x7F4] =	sst s17  }
0x1e: {  	s0 =	ssub.s32 $0x2, s0;
	s19 =	simm.s32 $0x1A180;
	[smem:$0x7F5] =	sst s18  }
0x1f: {  	s6 =	smul.u32 $0x28, s4;
	s20 =	simm.s32 $0x1A980;
	[smem:$0x7F6] =	sst s19  }
0x20: {  	s7 =	smul.u32 $0x28000, s4;
	s21 =	simm.s32 $0x1B180;
	[smem:$0x7F7] =	sst s20  }
0x21: {  	s4 =	smul.u32 $0x5000, s4;
	s22 =	simm.s32 $0x1B980;
	[smem:$0x7F8] =	sst s21  }
0x22: {  	s23 =	simm.s32 $0x1C180;
	s24 =	simm.s32 $0x1C980;
	[smem:$0x7F9] =	sst s22  }
0x23: {  	s25 =	simm.s32 $0x1D180;
	s1 =	sadd.s32 s6, s1;
	[smem:$0x7FA] =	sst s23  }
0x24: {  	s26 =	sshrl.u32 s7, $0x3;
	s4 =	sadd.s32 s5, s4;
	[smem:$0x7FB] =	sst s24  }
0x25: {  	[smem:$0x7FC] =	sst s25;
	s12 =	simm.s32 $0x980;
	s13 =	simm.s32 $0x1180  }
0x26: {  	s14 =	simm.s32 $0x1980;
	s15 =	simm.s32 $0x2180;
	s16 =	simm.s32 $0x2980  }
0x27: {  	s17 =	simm.s32 $0x3180;
	s18 =	simm.s32 $0x3980;
	s19 =	simm.s32 $0x4180  }
0x28: {  	s20 =	simm.s32 $0x4980;
	s21 =	simm.s32 $0x5180;
	s22 =	simm.s32 $0x5980  }
0x29: {  	s23 =	simm.s32 $0x6180;
	s1 =	sadd.s32 $0xA00, s1;
	[dreg:$0x5] =	wrdreg s4  }
0x2a: {  	s6 =	sadd.s32 s5, s26;
	s5 =	simm.s32 $0x12980;
	[dreg:$0x4] =	wrdreg s1  }
0x2b: {  	s24 =	simm.s32 $0x6980;
	s7 =	sadd.s32 $0x1400, s6;
	[dreg:$0x19] =	wrdreg s5  }
0x2c: {  	s25 =	simm.s32 $0x7180;
	s8 =	sadd.s32 $0x2800, s6;
	[dreg:$0x6] =	wrdreg s7  }
0x2d: {  	s26 =	sshrl.u32 s0, $0x1;
	s9 =	sadd.s32 $0x3C00, s6;
	[dreg:$0x7] =	wrdreg s8  }
0x2e: {  	s4 =	sadd.s32 $0x100, s2;
	s6 =	simm.s32 $0x13180;
	[dreg:$0x8] =	wrdreg s9  }
0x2f: {  	s0 =	ssub.s32 s0, s26;
	s26 =	simm.s32 $0x1D980;
	[dreg:$0x1a] =	wrdreg s6  }
0x30: {  	s7 =	simm.s32 $0x13980;
	s5 =	smax.u32 s0, $0x1;
	[smem:$0x7FD] =	sst s26  }
0x31: {  	v2 =	vlaneseq.u32;
	s8 =	simm.s32 $0x14980;
	s9 =	simm.s32 $0x15180;
	[dreg:$0x1b] =	wrdreg s7  }
0x32: {  	vm0 =	vmmov $0xffff;
	v1 =	vshrl.u32 v2, $0x3;
	s26 =	simm.s32 $0x7980;
	[dreg:$0x1c] =	wrdreg s8;
	s7 =	simm.s32 $0x180  }
0x33: {  	v0 =	vand.u32 $0x7, v2;
	v2 =	vor.u32 $0x8, v2;
	v1 =	vmul.u32 $0x8, v1;
	[dreg:$0x1d] =	wrdreg s9;
	s9 =	simm.s32 $0x6;
	s8 =	simm.s32 $0x14180  }
.LBB2_1:
0x34: {  	s10 =	rddreg [dreg:$0x4];
	s6 =	simm.s32 $0x7  }
0x35: {  	[tilespmem:s3], [sflag:$0x7] =	stream.linear.gather [hbm4b:s10+s3], $0x140, $0x38;
	[tilespmem:$0x1E180] =	vst v63  }
0x36: {  	_ =	swait.ge [sflag:s6], $0x140  }
0x37: {  	[sflag:s6] =	ssyncset.done $0x0  }
0x38: {  	[sflag:s6] =	ssyncadd.s32 $0xFFFFFEC0  }
0x39: {  	v3 =	vld [tilespmem:$0x0];
	_ =	sdelay $0x4  }
0x3a: {  	v4 =	vshll.u32 v3, $0x2  }
0x3b: {  	v3 =	vand.u32 $0x7, v3;
	v4 =	vand.u32 $0xFFFFFFE0, v4  }
0x3c: {  	v3 =	vor.u32 v3, v4  }
0x3d: {  	v4 =	vperm.xlane v3, v0;
	_ =	sdelay $0x1  }
0x3e: {  	v4 =	vadd.s32 v1, v4;
	_ =	sdelay $0x1  }
0x3f: {  	v3 =	vperm.xlane v3, v2;
	_ =	sdelay $0x1  }
0x40: {  	v3 =	vadd.s32 v1, v3  }
0x41: {  	[tilespmem:s7], [sflag:$0x1] =	stream.indirect_vreg.gather [hbm4b:s2+s3], $0x80, v4, vm0, $0xb8;
	[tilespmem:$0x1E180] =	vst v63  }
0x42: {  	_ = 	snop  }
0x43: {  	[tilespmem:s12], [sflag:$0x1] =	stream.indirect_vreg.gather [hbm4b:s4+s3], $0x80, v4, vm0, $0xb8;
	[tilespmem:$0x1E180] =	vst v63  }
0x44: {  	_ = 	snop  }
0x45: {  	[tilespmem:s13], [sflag:$0x1] =	stream.indirect_vreg.gather [hbm4b:s2+s3], $0x80, v3, vm0, $0xb8;
	[tilespmem:$0x1E180] =	vst v63  }
0x46: {  	_ = 	snop  }
0x47: {  	[tilespmem:s14], [sflag:$0x1] =	stream.indirect_vreg.gather [hbm4b:s4+s3], $0x80, v3, vm0, $0xb8;
	[tilespmem:$0x1E180] =	vst v63  }
0x48: {  	v3 =	vld [tilespmem:$0x10];
	_ =	sdelay $0x4  }
0x49: {  	v45 =	vshll.u32 v3, $0x2  }
0x4a: {  	v3 =	vand.u32 $0x7, v3;
	v4 =	vand.u32 $0xFFFFFFE0, v45  }
0x4b: {  	v3 =	vor.u32 v3, v4  }
0x4c: {  	v4 =	vperm.xlane v3, v0;
	_ =	sdelay $0x1  }
0x4d: {  	v4 =	vadd.s32 v1, v4;
	_ =	sdelay $0x1  }
0x4e: {  	v3 =	vperm.xlane v3, v2;
	_ =	sdelay $0x1  }
0x4f: {  	v3 =	vadd.s32 v1, v3  }
0x50: {  	[tilespmem:s15], [sflag:$0x1] =	stream.indirect_vreg.gather [hbm4b:s2+s3], $0x80, v4, vm0, $0xb8;
	[tilespmem:$0x1E180] =	vst v63  }
0x51: {  	_ = 	snop  }
0x52: {  	[tilespmem:s16], [sflag:$0x1] =	stream.indirect_vreg.gather [hbm4b:s4+s3], $0x80, v4, vm0, $0xb8;
	[tilespmem:$0x1E180] =	vst v63  }
0x53: {  	_ = 	snop  }
0x54: {  	[tilespmem:s17], [sflag:$0x1] =	stream.indirect_vreg.gather [hbm4b:s2+s3], $0x80, v3, vm0, $0xb8;
	[tilespmem:$0x1E180] =	vst v63  }
0x55: {  	_ = 	snop  }
0x56: {  	[tilespmem:s18], [sflag:$0x1] =	stream.indirect_vreg.gather [hbm4b:s4+s3], $0x80, v3, vm0, $0xb8;
	[tilespmem:$0x1E180] =	vst v63  }
0x57: {  	v3 =	vld [tilespmem:$0x20];
	_ =	sdelay $0x4  }
0x58: {  	v46 =	vshll.u32 v3, $0x2  }
0x59: {  	v3 =	vand.u32 $0x7, v3;
	v4 =	vand.u32 $0xFFFFFFE0, v46  }
0x5a: {  	v3 =	vor.u32 v3, v4  }
0x5b: {  	v4 =	vperm.xlane v3, v0;
	_ =	sdelay $0x1  }
0x5c: {  	v4 =	vadd.s32 v1, v4;
	_ =	sdelay $0x1  }
0x5d: {  	v3 =	vperm.xlane v3, v2;
	_ =	sdelay $0x1  }
0x5e: {  	v3 =	vadd.s32 v1, v3  }
0x5f: {  	[tilespmem:s19], [sflag:$0x1] =	stream.indirect_vreg.gather [hbm4b:s2+s3], $0x80, v4, vm0, $0xb8;
	[tilespmem:$0x1E180] =	vst v63  }
0x60: {  	_ = 	snop  }
0x61: {  	[tilespmem:s20], [sflag:$0x1] =	stream.indirect_vreg.gather [hbm4b:s4+s3], $0x80, v4, vm0, $0xb8;
	[tilespmem:$0x1E180] =	vst v63  }
0x62: {  	_ = 	snop  }
0x63: {  	[tilespmem:s21], [sflag:$0x1] =	stream.indirect_vreg.gather [hbm4b:s2+s3], $0x80, v3, vm0, $0xb8;
	[tilespmem:$0x1E180] =	vst v63  }
0x64: {  	_ = 	snop  }
0x65: {  	[tilespmem:s22], [sflag:$0x1] =	stream.indirect_vreg.gather [hbm4b:s4+s3], $0x80, v3, vm0, $0xb8;
	[tilespmem:$0x1E180] =	vst v63  }
0x66: {  	v3 =	vld [tilespmem:$0x30];
	_ =	sdelay $0x4  }
0x67: {  	v47 =	vshll.u32 v3, $0x2  }
0x68: {  	v3 =	vand.u32 $0x7, v3;
	v4 =	vand.u32 $0xFFFFFFE0, v47  }
0x69: {  	v3 =	vor.u32 v3, v4  }
0x6a: {  	v4 =	vperm.xlane v3, v0;
	_ =	sdelay $0x1  }
0x6b: {  	v4 =	vadd.s32 v1, v4;
	_ =	sdelay $0x1  }
0x6c: {  	v3 =	vperm.xlane v3, v2;
	_ =	sdelay $0x1  }
0x6d: {  	v3 =	vadd.s32 v1, v3  }
0x6e: {  	[tilespmem:s23], [sflag:$0x1] =	stream.indirect_vreg.gather [hbm4b:s2+s3], $0x80, v4, vm0, $0xb8;
	[tilespmem:$0x1E180] =	vst v63  }
0x6f: {  	_ = 	snop  }
0x70: {  	[tilespmem:s24], [sflag:$0x1] =	stream.indirect_vreg.gather [hbm4b:s4+s3], $0x80, v4, vm0, $0xb8;
	[tilespmem:$0x1E180] =	vst v63  }
0x71: {  	_ = 	snop  }
0x72: {  	[tilespmem:s25], [sflag:$0x1] =	stream.indirect_vreg.gather [hbm4b:s2+s3], $0x80, v3, vm0, $0xb8;
	[tilespmem:$0x1E180] =	vst v63  }
0x73: {  	_ = 	snop  }
0x74: {  	[tilespmem:s26], [sflag:$0x1] =	stream.indirect_vreg.gather [hbm4b:s4+s3], $0x80, v3, vm0, $0xb8;
	[tilespmem:$0x1E180] =	vst v63  }
0x75: {  	v3 =	vld [tilespmem:$0x40];
	_ =	sdelay $0x4  }
0x76: {  	v48 =	vshll.u32 v3, $0x2  }
0x77: {  	v3 =	vand.u32 $0x7, v3;
	v4 =	vand.u32 $0xFFFFFFE0, v48  }
0x78: {  	v3 =	vor.u32 v3, v4  }
0x79: {  	v4 =	vperm.xlane v3, v0;
	_ =	sdelay $0x1  }
0x7a: {  	v4 =	vadd.s32 v1, v4;
	_ =	sdelay $0x1  }
0x7b: {  	v3 =	vperm.xlane v3, v2;
	_ =	sdelay $0x1  }
0x7c: {  	v3 =	vadd.s32 v1, v3  }
0x7d: {  	[tilespmem:s28], [sflag:$0x1] =	stream.indirect_vreg.gather [hbm4b:s2+s3], $0x80, v4, vm0, $0xb8;
	[tilespmem:$0x1E180] =	vst v63  }
0x7e: {  	_ = 	snop  }
0x7f: {  	[tilespmem:s29], [sflag:$0x1] =	stream.indirect_vreg.gather [hbm4b:s4+s3], $0x80, v4, vm0, $0xb8;
	[tilespmem:$0x1E180] =	vst v63  }
0x80: {  	s6 =	simm.s32 $0x9180  }
0x81: {  	[tilespmem:s6], [sflag:$0x1] =	stream.indirect_vreg.gather [hbm4b:s2+s3], $0x80, v3, vm0, $0xb8;
	[tilespmem:$0x1E180] =	vst v63  }
0x82: {  	s1 =	simm.s32 $0x9980  }
0x83: {  	[tilespmem:s1], [sflag:$0x1] =	stream.indirect_vreg.gather [hbm4b:s4+s3], $0x80, v3, vm0, $0xb8;
	[tilespmem:$0x1E180] =	vst v63  }
0x84: {  	v3 =	vld [tilespmem:$0x50];
	_ =	sdelay $0x4  }
0x85: {  	v49 =	vshll.u32 v3, $0x2  }
0x86: {  	v3 =	vand.u32 $0x7, v3;
	v4 =	vand.u32 $0xFFFFFFE0, v49  }
0x87: {  	v3 =	vor.u32 v3, v4  }
0x88: {  	v4 =	vperm.xlane v3, v0;
	_ =	sdelay $0x1  }
0x89: {  	v4 =	vadd.s32 v1, v4;
	_ =	sdelay $0x1  }
0x8a: {  	v3 =	vperm.xlane v3, v2;
	_ =	sdelay $0x1  }
0x8b: {  	s0 =	simm.s32 $0xA180;
	v3 =	vadd.s32 v1, v3  }
0x8c: {  	[tilespmem:s0], [sflag:$0x2] =	stream.indirect_vreg.gather [hbm4b:s2+s3], $0x80, v4, vm0, $0xb8;
	[tilespmem:$0x1E180] =	vst v63  }
0x8d: {  	s10 =	rddreg [dreg:$0x9]  }
0x8e: {  	[tilespmem:s10], [sflag:$0x2] =	stream.indirect_vreg.gather [hbm4b:s4+s3], $0x80, v4, vm0, $0xb8;
	[tilespmem:$0x1E180] =	vst v63  }
0x8f: {  	s11 =	rddreg [dreg:$0xa]  }
0x90: {  	[tilespmem:s11], [sflag:$0x2] =	stream.indirect_vreg.gather [hbm4b:s2+s3], $0x80, v3, vm0, $0xb8;
	[tilespmem:$0x1E180] =	vst v63  }
0x91: {  	s10 =	rddreg [dreg:$0xb]  }
0x92: {  	[tilespmem:s10], [sflag:$0x2] =	stream.indirect_vreg.gather [hbm4b:s4+s3], $0x80, v3, vm0, $0xb8;
	[tilespmem:$0x1E180] =	vst v63  }
0x93: {  	v3 =	vld [tilespmem:$0x60];
	_ =	sdelay $0x4  }
0x94: {  	v50 =	vshll.u32 v3, $0x2  }
0x95: {  	v3 =	vand.u32 $0x7, v3;
	v4 =	vand.u32 $0xFFFFFFE0, v50  }
0x96: {  	v3 =	vor.u32 v3, v4  }
0x97: {  	v4 =	vperm.xlane v3, v0;
	_ =	sdelay $0x1  }
0x98: {  	v4 =	vadd.s32 v1, v4;
	_ =	sdelay $0x1  }
0x99: {  	v3 =	vperm.xlane v3, v2;
	_ =	sdelay $0x1  }
0x9a: {  	s10 =	rddreg [dreg:$0xc];
	v3 =	vadd.s32 v1, v3  }
0x9b: {  	[tilespmem:s10], [sflag:$0x2] =	stream.indirect_vreg.gather [hbm4b:s2+s3], $0x80, v4, vm0, $0xb8;
	[tilespmem:$0x1E180] =	vst v63  }
0x9c: {  	s11 =	rddreg [dreg:$0xd]  }
0x9d: {  	[tilespmem:s11], [sflag:$0x2] =	stream.indirect_vreg.gather [hbm4b:s4+s3], $0x80, v4, vm0, $0xb8;
	[tilespmem:$0x1E180] =	vst v63  }
0x9e: {  	s10 =	rddreg [dreg:$0xe]  }
0x9f: {  	[tilespmem:s10], [sflag:$0x2] =	stream.indirect_vreg.gather [hbm4b:s2+s3], $0x80, v3, vm0, $0xb8;
	[tilespmem:$0x1E180] =	vst v63  }
0xa0: {  	s11 =	rddreg [dreg:$0xf]  }
0xa1: {  	[tilespmem:s11], [sflag:$0x2] =	stream.indirect_vreg.gather [hbm4b:s4+s3], $0x80, v3, vm0, $0xb8;
	[tilespmem:$0x1E180] =	vst v63  }
0xa2: {  	v3 =	vld [tilespmem:$0x70];
	_ =	sdelay $0x4  }
0xa3: {  	v51 =	vshll.u32 v3, $0x2  }
0xa4: {  	v3 =	vand.u32 $0x7, v3;
	v4 =	vand.u32 $0xFFFFFFE0, v51  }
0xa5: {  	v3 =	vor.u32 v3, v4  }
0xa6: {  	v4 =	vperm.xlane v3, v0;
	_ =	sdelay $0x1  }
0xa7: {  	v4 =	vadd.s32 v1, v4;
	_ =	sdelay $0x1  }
0xa8: {  	v3 =	vperm.xlane v3, v2;
	_ =	sdelay $0x1  }
0xa9: {  	s10 =	rddreg [dreg:$0x10];
	v3 =	vadd.s32 v1, v3  }
0xaa: {  	[tilespmem:s10], [sflag:$0x2] =	stream.indirect_vreg.gather [hbm4b:s2+s3], $0x80, v4, vm0, $0xb8;
	[tilespmem:$0x1E180] =	vst v63  }
0xab: {  	s11 =	rddreg [dreg:$0x11]  }
0xac: {  	[tilespmem:s11], [sflag:$0x2] =	stream.indirect_vreg.gather [hbm4b:s4+s3], $0x80, v4, vm0, $0xb8;
	[tilespmem:$0x1E180] =	vst v63  }
0xad: {  	s10 =	rddreg [dreg:$0x12]  }
0xae: {  	[tilespmem:s10], [sflag:$0x2] =	stream.indirect_vreg.gather [hbm4b:s2+s3], $0x80, v3, vm0, $0xb8;
	[tilespmem:$0x1E180] =	vst v63  }
0xaf: {  	s11 =	rddreg [dreg:$0x13]  }
0xb0: {  	[tilespmem:s11], [sflag:$0x2] =	stream.indirect_vreg.gather [hbm4b:s4+s3], $0x80, v3, vm0, $0xb8;
	[tilespmem:$0x1E180] =	vst v63  }
0xb1: {  	v3 =	vld [tilespmem:$0x80];
	_ =	sdelay $0x4  }
0xb2: {  	v52 =	vshll.u32 v3, $0x2  }
0xb3: {  	v3 =	vand.u32 $0x7, v3;
	v4 =	vand.u32 $0xFFFFFFE0, v52  }
0xb4: {  	v3 =	vor.u32 v3, v4  }
0xb5: {  	v4 =	vperm.xlane v3, v0;
	_ =	sdelay $0x1  }
0xb6: {  	v4 =	vadd.s32 v1, v4;
	_ =	sdelay $0x1  }
0xb7: {  	v3 =	vperm.xlane v3, v2;
	_ =	sdelay $0x1  }
0xb8: {  	s10 =	rddreg [dreg:$0x14];
	v3 =	vadd.s32 v1, v3  }
0xb9: {  	[tilespmem:s10], [sflag:$0x2] =	stream.indirect_vreg.gather [hbm4b:s2+s3], $0x80, v4, vm0, $0xb8;
	[tilespmem:$0x1E180] =	vst v63  }
0xba: {  	s11 =	rddreg [dreg:$0x15]  }
0xbb: {  	[tilespmem:s11], [sflag:$0x2] =	stream.indirect_vreg.gather [hbm4b:s4+s3], $0x80, v4, vm0, $0xb8;
	[tilespmem:$0x1E180] =	vst v63  }
0xbc: {  	s10 =	rddreg [dreg:$0x16]  }
0xbd: {  	[tilespmem:s10], [sflag:$0x2] =	stream.indirect_vreg.gather [hbm4b:s2+s3], $0x80, v3, vm0, $0xb8;
	[tilespmem:$0x1E180] =	vst v63  }
0xbe: {  	s11 =	rddreg [dreg:$0x17]  }
0xbf: {  	[tilespmem:s11], [sflag:$0x2] =	stream.indirect_vreg.gather [hbm4b:s4+s3], $0x80, v3, vm0, $0xb8;
	[tilespmem:$0x1E180] =	vst v63  }
0xc0: {  	v3 =	vld [tilespmem:$0x90];
	_ =	sdelay $0x4  }
0xc1: {  	v53 =	vshll.u32 v3, $0x2  }
0xc2: {  	v3 =	vand.u32 $0x7, v3;
	v4 =	vand.u32 $0xFFFFFFE0, v53  }
0xc3: {  	v3 =	vor.u32 v3, v4  }
0xc4: {  	v4 =	vperm.xlane v3, v0;
	_ =	sdelay $0x1  }
0xc5: {  	v4 =	vadd.s32 v1, v4;
	_ =	sdelay $0x1  }
0xc6: {  	v3 =	vperm.xlane v3, v2;
	_ =	sdelay $0x1  }
0xc7: {  	s10 =	rddreg [dreg:$0x18];
	v3 =	vadd.s32 v1, v3  }
0xc8: {  	[tilespmem:s10], [sflag:$0x2] =	stream.indirect_vreg.gather [hbm4b:s2+s3], $0x80, v4, vm0, $0xb8;
	[tilespmem:$0x1E180] =	vst v63  }
0xc9: {  	s11 =	rddreg [dreg:$0x19]  }
0xca: {  	[tilespmem:s11], [sflag:$0x2] =	stream.indirect_vreg.gather [hbm4b:s4+s3], $0x80, v4, vm0, $0xb8;
	[tilespmem:$0x1E180] =	vst v63  }
0xcb: {  	s10 =	rddreg [dreg:$0x1a]  }
0xcc: {  	[tilespmem:s10], [sflag:$0x2] =	stream.indirect_vreg.gather [hbm4b:s2+s3], $0x80, v3, vm0, $0xb8;
	[tilespmem:$0x1E180] =	vst v63  }
0xcd: {  	s11 =	rddreg [dreg:$0x1b]  }
0xce: {  	[tilespmem:s11], [sflag:$0x2] =	stream.indirect_vreg.gather [hbm4b:s4+s3], $0x80, v3, vm0, $0xb8;
	[tilespmem:$0x1E180] =	vst v63  }
0xcf: {  	v3 =	vld [tilespmem:$0xA0];
	_ =	sdelay $0x4  }
0xd0: {  	v54 =	vshll.u32 v3, $0x2  }
0xd1: {  	v3 =	vand.u32 $0x7, v3;
	v4 =	vand.u32 $0xFFFFFFE0, v54  }
0xd2: {  	v3 =	vor.u32 v3, v4  }
0xd3: {  	v4 =	vperm.xlane v3, v0;
	_ =	sdelay $0x1  }
0xd4: {  	v4 =	vadd.s32 v1, v4;
	_ =	sdelay $0x1  }
0xd5: {  	v3 =	vperm.xlane v3, v2;
	_ =	sdelay $0x1  }
0xd6: {  	v3 =	vadd.s32 v1, v3  }
0xd7: {  	[tilespmem:s8], [sflag:$0x3] =	stream.indirect_vreg.gather [hbm4b:s2+s3], $0x80, v4, vm0, $0xb8;
	[tilespmem:$0x1E180] =	vst v63  }
0xd8: {  	s10 =	rddreg [dreg:$0x1c]  }
0xd9: {  	[tilespmem:s10], [sflag:$0x3] =	stream.indirect_vreg.gather [hbm4b:s4+s3], $0x80, v4, vm0, $0xb8;
	[tilespmem:$0x1E180] =	vst v63  }
0xda: {  	s11 =	rddreg [dreg:$0x1d]  }
0xdb: {  	[tilespmem:s11], [sflag:$0x3] =	stream.indirect_vreg.gather [hbm4b:s2+s3], $0x80, v3, vm0, $0xb8;
	[tilespmem:$0x1E180] =	vst v63  }
0xdc: {  	s10 =	rddreg [dreg:$0x1e]  }
0xdd: {  	[tilespmem:s10], [sflag:$0x3] =	stream.indirect_vreg.gather [hbm4b:s4+s3], $0x80, v3, vm0, $0xb8;
	[tilespmem:$0x1E180] =	vst v63  }
0xde: {  	v3 =	vld [tilespmem:$0xB0];
	_ =	sdelay $0x4  }
0xdf: {  	v55 =	vshll.u32 v3, $0x2  }
0xe0: {  	v3 =	vand.u32 $0x7, v3;
	v4 =	vand.u32 $0xFFFFFFE0, v55  }
0xe1: {  	v3 =	vor.u32 v3, v4  }
0xe2: {  	v4 =	vperm.xlane v3, v0;
	_ =	sdelay $0x1  }
0xe3: {  	v4 =	vadd.s32 v1, v4;
	_ =	sdelay $0x1  }
0xe4: {  	v3 =	vperm.xlane v3, v2  }
0xe5: {  	s11 =	sld [smem:$0x7EF]  }
0xe6: {  	s10 =	rddreg [dreg:$0x1f];
	v3 =	vadd.s32 v1, v3  }
0xe7: {  	[tilespmem:s10], [sflag:$0x3] =	stream.indirect_vreg.gather [hbm4b:s2+s3], $0x80, v4, vm0, $0xb8;
	[tilespmem:$0x1E180] =	vst v63  }
0xe8: {  	s10 =	sld [smem:$0x7F0]  }
0xe9: {  	[tilespmem:s11], [sflag:$0x3] =	stream.indirect_vreg.gather [hbm4b:s4+s3], $0x80, v4, vm0, $0xb8;
	[tilespmem:$0x1E180] =	vst v63  }
0xea: {  	s11 =	sld [smem:$0x7F1]  }
0xeb: {  	[tilespmem:s10], [sflag:$0x3] =	stream.indirect_vreg.gather [hbm4b:s2+s3], $0x80, v3, vm0, $0xb8;
	[tilespmem:$0x1E180] =	vst v63  }
0xec: {  	_ = 	snop  }
0xed: {  	[tilespmem:s11], [sflag:$0x3] =	stream.indirect_vreg.gather [hbm4b:s4+s3], $0x80, v3, vm0, $0xb8;
	[tilespmem:$0x1E180] =	vst v63  }
0xee: {  	v3 =	vld [tilespmem:$0xC0];
	_ =	sdelay $0x4  }
0xef: {  	v56 =	vshll.u32 v3, $0x2  }
0xf0: {  	v3 =	vand.u32 $0x7, v3;
	v4 =	vand.u32 $0xFFFFFFE0, v56  }
0xf1: {  	v3 =	vor.u32 v3, v4  }
0xf2: {  	v4 =	vperm.xlane v3, v0;
	_ =	sdelay $0x1  }
0xf3: {  	v4 =	vadd.s32 v1, v4;
	_ =	sdelay $0x1  }
0xf4: {  	s10 =	sld [smem:$0x7F2];
	v3 =	vperm.xlane v3, v2;
	_ =	sdelay $0x1  }
0xf5: {  	s11 =	sld [smem:$0x7F3];
	v3 =	vadd.s32 v1, v3  }
0xf6: {  	[tilespmem:s10], [sflag:$0x3] =	stream.indirect_vreg.gather [hbm4b:s2+s3], $0x80, v4, vm0, $0xb8;
	[tilespmem:$0x1E180] =	vst v63  }
0xf7: {  	s10 =	sld [smem:$0x7F4]  }
0xf8: {  	[tilespmem:s11], [sflag:$0x3] =	stream.indirect_vreg.gather [hbm4b:s4+s3], $0x80, v4, vm0, $0xb8;
	[tilespmem:$0x1E180] =	vst v63  }
0xf9: {  	s11 =	sld [smem:$0x7F5]  }
0xfa: {  	[tilespmem:s10], [sflag:$0x3] =	stream.indirect_vreg.gather [hbm4b:s2+s3], $0x80, v3, vm0, $0xb8;
	[tilespmem:$0x1E180] =	vst v63  }
0xfb: {  	_ = 	snop  }
0xfc: {  	[tilespmem:s11], [sflag:$0x3] =	stream.indirect_vreg.gather [hbm4b:s4+s3], $0x80, v3, vm0, $0xb8;
	[tilespmem:$0x1E180] =	vst v63  }
0xfd: {  	v3 =	vld [tilespmem:$0xD0];
	_ =	sdelay $0x4  }
0xfe: {  	v57 =	vshll.u32 v3, $0x2  }
0xff: {  	v3 =	vand.u32 $0x7, v3;
	v4 =	vand.u32 $0xFFFFFFE0, v57  }
0x100: {  	v3 =	vor.u32 v3, v4  }
0x101: {  	v4 =	vperm.xlane v3, v0;
	_ =	sdelay $0x1  }
0x102: {  	v4 =	vadd.s32 v1, v4;
	_ =	sdelay $0x1  }
0x103: {  	s10 =	sld [smem:$0x7F6];
	v3 =	vperm.xlane v3, v2;
	_ =	sdelay $0x1  }
0x104: {  	s11 =	sld [smem:$0x7F7];
	v3 =	vadd.s32 v1, v3  }
0x105: {  	[tilespmem:s10], [sflag:$0x3] =	stream.indirect_vreg.gather [hbm4b:s2+s3], $0x80, v4, vm0, $0xb8;
	[tilespmem:$0x1E180] =	vst v63  }
0x106: {  	s10 =	sld [smem:$0x7F8]  }
0x107: {  	[tilespmem:s11], [sflag:$0x3] =	stream.indirect_vreg.gather [hbm4b:s4+s3], $0x80, v4, vm0, $0xb8;
	[tilespmem:$0x1E180] =	vst v63  }
0x108: {  	s11 =	sld [smem:$0x7F9]  }
0x109: {  	[tilespmem:s10], [sflag:$0x3] =	stream.indirect_vreg.gather [hbm4b:s2+s3], $0x80, v3, vm0, $0xb8;
	[tilespmem:$0x1E180] =	vst v63  }
0x10a: {  	_ = 	snop  }
0x10b: {  	[tilespmem:s11], [sflag:$0x3] =	stream.indirect_vreg.gather [hbm4b:s4+s3], $0x80, v3, vm0, $0xb8;
	[tilespmem:$0x1E180] =	vst v63  }
0x10c: {  	v3 =	vld [tilespmem:$0xE0];
	_ =	sdelay $0x4  }
0x10d: {  	v58 =	vshll.u32 v3, $0x2  }
0x10e: {  	v3 =	vand.u32 $0x7, v3;
	v4 =	vand.u32 $0xFFFFFFE0, v58  }
0x10f: {  	v3 =	vor.u32 v3, v4  }
0x110: {  	v4 =	vperm.xlane v3, v0;
	_ =	sdelay $0x1  }
0x111: {  	v4 =	vadd.s32 v1, v4;
	_ =	sdelay $0x1  }
0x112: {  	s10 =	sld [smem:$0x7FA];
	v3 =	vperm.xlane v3, v2;
	_ =	sdelay $0x1  }
0x113: {  	s11 =	sld [smem:$0x7FB];
	v3 =	vadd.s32 v1, v3  }
0x114: {  	[tilespmem:s10], [sflag:$0x3] =	stream.indirect_vreg.gather [hbm4b:s2+s3], $0x80, v4, vm0, $0xb8;
	[tilespmem:$0x1E180] =	vst v63  }
0x115: {  	s10 =	sld [smem:$0x7FC]  }
0x116: {  	[tilespmem:s11], [sflag:$0x3] =	stream.indirect_vreg.gather [hbm4b:s4+s3], $0x80, v4, vm0, $0xb8;
	[tilespmem:$0x1E180] =	vst v63  }
0x117: {  	s11 =	sld [smem:$0x7FD]  }
0x118: {  	[tilespmem:s10], [sflag:$0x3] =	stream.indirect_vreg.gather [hbm4b:s2+s3], $0x80, v3, vm0, $0xb8;
	[tilespmem:$0x1E180] =	vst v63  }
0x119: {  	_ = 	snop  }
0x11a: {  	[tilespmem:s11], [sflag:$0x3] =	stream.indirect_vreg.gather [hbm4b:s4+s3], $0x80, v3, vm0, $0xb8;
	[tilespmem:$0x1E180] =	vst v63  }
0x11b: {  	_ =	swait.ge [sflag:s30], $0xA000  }
0x11c: {  	[sflag:s30] =	ssyncset.done $0x0  }
0x11d: {  	s11 =	rddreg [dreg:$0x5];
	[sflag:s30] =	ssyncadd.s32 $0xFFFF6000  }
0x11e: {  	[hbm4b:s11+s3] =	stream.linear.scatter [tilespmem:s7], [sflag:$0x4], $0xA000, $0x38;
	[tilespmem:$0x1E180] =	vst v63  }
0x11f: {  	_ =	swait.ge [sflag:s31], $0xA000  }
0x120: {  	[sflag:s31] =	ssyncset.done $0x0  }
0x121: {  	[sflag:s31] =	ssyncadd.s32 $0xFFFF6000  }
0x122: {  	v3 =	vld [tilespmem:$0xF0];
	_ =	sdelay $0x4  }
0x123: {  	v59 =	vshll.u32 v3, $0x2  }
0x124: {  	v3 =	vand.u32 $0x7, v3;
	v4 =	vand.u32 $0xFFFFFFE0, v59  }
0x125: {  	v3 =	vor.u32 v3, v4  }
0x126: {  	v4 =	vperm.xlane v3, v0;
	_ =	sdelay $0x1  }
0x127: {  	v4 =	vadd.s32 v1, v4;
	_ =	sdelay $0x1  }
0x128: {  	v3 =	vperm.xlane v3, v2;
	_ =	sdelay $0x1  }
0x129: {  	v3 =	vadd.s32 v1, v3  }
0x12a: {  	[tilespmem:s7], [sflag:$0x1] =	stream.indirect_vreg.gather [hbm4b:s2+s3], $0x80, v4, vm0, $0xb8;
	[tilespmem:$0x1E180] =	vst v63  }
0x12b: {  	_ = 	snop  }
0x12c: {  	[tilespmem:s12], [sflag:$0x1] =	stream.indirect_vreg.gather [hbm4b:s4+s3], $0x80, v4, vm0, $0xb8;
	[tilespmem:$0x1E180] =	vst v63  }
0x12d: {  	_ = 	snop  }
0x12e: {  	[tilespmem:s13], [sflag:$0x1] =	stream.indirect_vreg.gather [hbm4b:s2+s3], $0x80, v3, vm0, $0xb8;
	[tilespmem:$0x1E180] =	vst v63  }
0x12f: {  	_ = 	snop  }
0x130: {  	[tilespmem:s14], [sflag:$0x1] =	stream.indirect_vreg.gather [hbm4b:s4+s3], $0x80, v3, vm0, $0xb8;
	[tilespmem:$0x1E180] =	vst v63  }
0x131: {  	v3 =	vld [tilespmem:$0x100];
	_ =	sdelay $0x4  }
0x132: {  	v60 =	vshll.u32 v3, $0x2  }
0x133: {  	v3 =	vand.u32 $0x7, v3;
	v4 =	vand.u32 $0xFFFFFFE0, v60  }
0x134: {  	v3 =	vor.u32 v3, v4  }
0x135: {  	v4 =	vperm.xlane v3, v0;
	_ =	sdelay $0x1  }
0x136: {  	v4 =	vadd.s32 v1, v4;
	_ =	sdelay $0x1  }
0x137: {  	v3 =	vperm.xlane v3, v2;
	_ =	sdelay $0x1  }
0x138: {  	v3 =	vadd.s32 v1, v3  }
0x139: {  	[tilespmem:s15], [sflag:$0x1] =	stream.indirect_vreg.gather [hbm4b:s2+s3], $0x80, v4, vm0, $0xb8;
	[tilespmem:$0x1E180] =	vst v63  }
0x13a: {  	_ = 	snop  }
0x13b: {  	[tilespmem:s16], [sflag:$0x1] =	stream.indirect_vreg.gather [hbm4b:s4+s3], $0x80, v4, vm0, $0xb8;
	[tilespmem:$0x1E180] =	vst v63  }
0x13c: {  	_ = 	snop  }
0x13d: {  	[tilespmem:s17], [sflag:$0x1] =	stream.indirect_vreg.gather [hbm4b:s2+s3], $0x80, v3, vm0, $0xb8;
	[tilespmem:$0x1E180] =	vst v63  }
0x13e: {  	_ = 	snop  }
0x13f: {  	[tilespmem:s18], [sflag:$0x1] =	stream.indirect_vreg.gather [hbm4b:s4+s3], $0x80, v3, vm0, $0xb8;
	[tilespmem:$0x1E180] =	vst v63  }
0x140: {  	v3 =	vld [tilespmem:$0x110];
	_ =	sdelay $0x4  }
0x141: {  	v61 =	vshll.u32 v3, $0x2  }
0x142: {  	v3 =	vand.u32 $0x7, v3;
	v4 =	vand.u32 $0xFFFFFFE0, v61  }
0x143: {  	v3 =	vor.u32 v3, v4  }
0x144: {  	v4 =	vperm.xlane v3, v0;
	_ =	sdelay $0x1  }
0x145: {  	v4 =	vadd.s32 v1, v4;
	_ =	sdelay $0x1  }
0x146: {  	v3 =	vperm.xlane v3, v2;
	_ =	sdelay $0x1  }
0x147: {  	v3 =	vadd.s32 v1, v3  }
0x148: {  	[tilespmem:s19], [sflag:$0x1] =	stream.indirect_vreg.gather [hbm4b:s2+s3], $0x80, v4, vm0, $0xb8;
	[tilespmem:$0x1E180] =	vst v63  }
0x149: {  	_ = 	snop  }
0x14a: {  	[tilespmem:s20], [sflag:$0x1] =	stream.indirect_vreg.gather [hbm4b:s4+s3], $0x80, v4, vm0, $0xb8;
	[tilespmem:$0x1E180] =	vst v63  }
0x14b: {  	_ = 	snop  }
0x14c: {  	[tilespmem:s21], [sflag:$0x1] =	stream.indirect_vreg.gather [hbm4b:s2+s3], $0x80, v3, vm0, $0xb8;
	[tilespmem:$0x1E180] =	vst v63  }
0x14d: {  	_ = 	snop  }
0x14e: {  	[tilespmem:s22], [sflag:$0x1] =	stream.indirect_vreg.gather [hbm4b:s4+s3], $0x80, v3, vm0, $0xb8;
	[tilespmem:$0x1E180] =	vst v63  }
0x14f: {  	v3 =	vld [tilespmem:$0x120];
	_ =	sdelay $0x4  }
0x150: {  	v62 =	vshll.u32 v3, $0x2  }
0x151: {  	v3 =	vand.u32 $0x7, v3;
	v4 =	vand.u32 $0xFFFFFFE0, v62  }
0x152: {  	v3 =	vor.u32 v3, v4  }
0x153: {  	v4 =	vperm.xlane v3, v0;
	_ =	sdelay $0x1  }
0x154: {  	v4 =	vadd.s32 v1, v4;
	_ =	sdelay $0x1  }
0x155: {  	v3 =	vperm.xlane v3, v2;
	_ =	sdelay $0x1  }
0x156: {  	v3 =	vadd.s32 v1, v3  }
0x157: {  	[tilespmem:s23], [sflag:$0x1] =	stream.indirect_vreg.gather [hbm4b:s2+s3], $0x80, v4, vm0, $0xb8;
	[tilespmem:$0x1E180] =	vst v63  }
0x158: {  	_ = 	snop  }
0x159: {  	[tilespmem:s24], [sflag:$0x1] =	stream.indirect_vreg.gather [hbm4b:s4+s3], $0x80, v4, vm0, $0xb8;
	[tilespmem:$0x1E180] =	vst v63  }
0x15a: {  	_ = 	snop  }
0x15b: {  	[tilespmem:s25], [sflag:$0x1] =	stream.indirect_vreg.gather [hbm4b:s2+s3], $0x80, v3, vm0, $0xb8;
	[tilespmem:$0x1E180] =	vst v63  }
0x15c: {  	_ = 	snop  }
0x15d: {  	[tilespmem:s26], [sflag:$0x1] =	stream.indirect_vreg.gather [hbm4b:s4+s3], $0x80, v3, vm0, $0xb8;
	[tilespmem:$0x1E180] =	vst v63  }
0x15e: {  	v3 =	vld [tilespmem:$0x130];
	_ =	sdelay $0x4  }
0x15f: {  	v63 =	vshll.u32 v3, $0x2  }
0x160: {  	v3 =	vand.u32 $0x7, v3;
	v4 =	vand.u32 $0xFFFFFFE0, v63  }
0x161: {  	v3 =	vor.u32 v3, v4  }
0x162: {  	v4 =	vperm.xlane v3, v0;
	_ =	sdelay $0x1  }
0x163: {  	v4 =	vadd.s32 v1, v4;
	_ =	sdelay $0x1  }
0x164: {  	v3 =	vperm.xlane v3, v2;
	_ =	sdelay $0x1  }
0x165: {  	v3 =	vadd.s32 v1, v3  }
0x166: {  	[tilespmem:s28], [sflag:$0x1] =	stream.indirect_vreg.gather [hbm4b:s2+s3], $0x80, v4, vm0, $0xb8;
	[tilespmem:$0x1E180] =	vst v63  }
0x167: {  	_ = 	snop  }
0x168: {  	[tilespmem:s29], [sflag:$0x1] =	stream.indirect_vreg.gather [hbm4b:s4+s3], $0x80, v4, vm0, $0xb8;
	[tilespmem:$0x1E180] =	vst v63  }
0x169: {  	_ = 	snop  }
0x16a: {  	[tilespmem:s6], [sflag:$0x1] =	stream.indirect_vreg.gather [hbm4b:s2+s3], $0x80, v3, vm0, $0xb8;
	[tilespmem:$0x1E180] =	vst v63  }
0x16b: {  	s11 =	simm.s32 $0x2  }
0x16c: {  	[tilespmem:s1], [sflag:$0x1] =	stream.indirect_vreg.gather [hbm4b:s4+s3], $0x80, v3, vm0, $0xb8;
	[tilespmem:$0x1E180] =	vst v63  }
0x16d: {  	_ =	swait.ge [sflag:s11], $0xA000  }
0x16e: {  	[sflag:s11] =	ssyncset.done $0x0  }
0x16f: {  	s6 =	rddreg [dreg:$0x6];
	[sflag:s11] =	ssyncadd.s32 $0xFFFF6000;
	s11 =	simm.s32 $0x3  }
0x170: {  	[hbm4b:s6+s3] =	stream.linear.scatter [tilespmem:s0], [sflag:$0x5], $0xA000, $0x38;
	[tilespmem:$0x1E180] =	vst v63  }
0x171: {  	_ =	swait.ge [sflag:s11], $0xA000  }
0x172: {  	[sflag:s11] =	ssyncset.done $0x0  }
0x173: {  	s1 =	rddreg [dreg:$0x7];
	[sflag:s11] =	ssyncadd.s32 $0xFFFF6000  }
0x174: {  	[hbm4b:s1+s3] =	stream.linear.scatter [tilespmem:s8], [sflag:$0x6], $0xA000, $0x38;
	[tilespmem:$0x1E180] =	vst v63  }
0x175: {  	_ =	swait.ge [sflag:s30], $0xA000  }
0x176: {  	[sflag:s30] =	ssyncset.done $0x0  }
0x177: {  	s11 =	simm.s32 $0x5;
	s6 =	rddreg [dreg:$0x8];
	[sflag:s30] =	ssyncadd.s32 $0xFFFF6000  }
0x178: {  	[hbm4b:s6+s3] =	stream.linear.scatter [tilespmem:s7], [sflag:$0x4], $0xA000, $0x38;
	[tilespmem:$0x1E180] =	vst v63  }
0x179: {  	_ =	swait.ge [sflag:s11], $0xA000  }
0x17a: {  	[sflag:s11] =	ssyncset.done $0x0  }
0x17b: {  	[sflag:s11] =	ssyncadd.s32 $0xFFFF6000  }
0x17c: {  	p0 =	sne.s32 s5, $0x1;
	_ =	swait.ge [sflag:s9], $0xA000  }
.Ltmp0:
0x17d: {  	[sflag:s9] =	ssyncset.done $0x0;
	(pc) =	sbr.rel @p0 .LBB2_1-.Ltmp0, $4  }
0x17e: {  	[sflag:s9] =	ssyncadd.s32 $0xFFFF6000  }
0x17f: {  	_ =	swait.ge [sflag:s31], $0xA000  }
0x180: {  	[sflag:s31] =	ssyncset.done $0x0  }
0x181: {  	s5 =	sadd.s32 $0xFFFFFFFF, s5;
	[sflag:s31] =	ssyncadd.s32 $0xFFFF6000  }
0x182: {  	_ =	sfence.sel $0x180000  }
0x183: {  	[bflag:$0x0] =	sbarrier.arrive $0xFFFF  }
0x184: {  	_ =	strace $0x90000047  }
0x185: {  	s0 =	stileid.u32;
	[bflag:$0x2] =	sbarrier.arrive $0xFFFF  }
0x186: {  	p0 =	sne.s32 s0, $0x0;
	s0 =	rddreg [dreg:$0x3]  }
0x187: {  	s0 =	sadd.s32 @!p0 $0x100000, s0  }
0x188: {  	[sflag:s0] =	ssyncadd.tile.s32 @!p0 $0x1;
	_ =	shalt  }
.Lfunc_end2:
_tile_overlayer_lowered:
.L_overlay_start_2:
0x189: {  	(tag) =	ssettag $0x2  }
0x18a: {  	s0 =	rddreg [dreg:$0x0];
	s2 =	stileid.u32  }
0x18b: {  	s1 =	rddreg [dreg:$0x1];
	p0 =	sne.s32 s2, $0x0  }
0x18c: {  	s3 =	rddreg [dreg:$0x2];
	[bflag:$0x3] =	sbarrier.arrive $0xFFFF;
	s2 =	simm.s32 @!p0 $0x1C07  }
0x18d: {  	[timem:s3], [sflag:s2] =	dma.local @!p0 [hbm:s0], s1  }
0x18e: {  	s0 =	simm.s32 @!p0 $0x7  }
0x18f: {  	_ =	swait.ge @!p0 [sflag:s0], s1  }
0x190: {  	s1 =	ssub.s32 @!p0 $0x0, s1;
	[sflag:s0] =	ssyncset.done @!p0 $0x0  }
0x191: {  	[sflag:s0] =	ssyncadd.s32 @!p0 s1  }
0x192: {  	[bflag:$0x3] =	sbarrier.arrive $0xFFFF  }
0x193: {  	_ =	shalt  }

</sc_bundles>
